<compile_context>
chip_gen: v7x
topology: tpu7x:2x2x1
jax: 0.10.2.dev20260603
libtpu: 0.0.44.dev20260713+nightly
codegen_flags: <defaults>
</compile_context>

<pallas_src>
import functools

import jax
import jax.numpy as jnp
from jax import lax
from jax.experimental import pallas as pl
from jax.experimental.pallas import tpu as pltpu
from jax.experimental.pallas import tpu_sc as plsc

B = 16384
V = 100000
D_ART = 64
EPS = 1e-3
LANES = 16

_NC = 2
_NS = 16
NW = _NC * _NS
BPW = B // NW
IDX_CHUNK = 128
NCHUNK = BPW // IDX_CHUNK
NVREG = BPW // LANES
PMAP_ROWS = (V + 127) // 128

_sc_mesh = plsc.VectorSubcoreMesh(
    core_axis_name="c", subcore_axis_name="s", num_cores=_NC, num_subcores=_NS)

_sc_params = pltpu.CompilerParams(
    use_tc_tiling_on_sc=False, needs_layout_passes=False)


@functools.partial(
    pl.kernel,
    out_type=jax.ShapeDtypeStruct((B, 128), jnp.float32),
    mesh=_sc_mesh,
    scratch_types=(
        pltpu.VMEM((NCHUNK, IDX_CHUNK), jnp.int32),
        pltpu.VMEM((NCHUNK, IDX_CHUNK), jnp.int32),
        pltpu.VMEM((BPW, 128), jnp.int32),
        pltpu.VMEM((BPW, 4), jnp.float32),
        pltpu.SemaphoreType.DMA,
    ),
    compiler_params=_sc_params,
)
def _sc_maps(ids_hbm, pmap_hbm, out_hbm, idx_v, idx7_v, mp_v, sidx_v, sem):
    wid = lax.axis_index("s") * _NC + lax.axis_index("c")
    base = wid * BPW
    pltpu.sync_copy(ids_hbm.at[pl.ds(wid * NCHUNK, NCHUNK)], idx_v)
    for k in range(NVREG):
        j, off = k // 8, (k % 8) * LANES
        v = idx_v[j, pl.ds(off, LANES)]
        idx7_v[j, pl.ds(off, LANES)] = lax.shift_right_logical(v, 7)
    copies = []
    for j in range(NCHUNK):
        sl = pl.ds(j * IDX_CHUNK, IDX_CHUNK)
        copies.append(pltpu.async_copy(pmap_hbm.at[idx7_v.at[j]], mp_v.at[sl], sem))
    for cp in copies:
        cp.wait()
    iota = lax.iota(jnp.int32, LANES)
    zero = jnp.full((LANES,), 0, jnp.int32)
    for k in range(NVREG):
        j, off = k // 8, (k % 8) * LANES
        lanes = jnp.bitwise_and(idx_v[j, pl.ds(off, LANES)], 127)
        row_ids = iota + (k * LANES)
        val = plsc.load_gather(mp_v, [row_ids, lanes])
        plsc.store_scatter(sidx_v, [row_ids, zero],
                           plsc.bitcast(val, jnp.float32))
    pltpu.sync_copy(sidx_v, out_hbm.at[pl.ds(base, BPW), pl.ds(0, 4)])


@functools.partial(
    pl.kernel,
    out_type=jax.ShapeDtypeStruct((B, 128), jnp.float32),
    mesh=_sc_mesh,
    scratch_types=(
        pltpu.VMEM((NCHUNK, IDX_CHUNK), jnp.int32),
        pltpu.VMEM((BPW, D_ART), jnp.float32),
        pltpu.SemaphoreType.DMA,
    ),
    compiler_params=_sc_params,
)
def _sc_article(ids_hbm, emb_hbm, out_hbm, idx_v, rows_v, sem):
    wid = lax.axis_index("s") * _NC + lax.axis_index("c")
    base = wid * BPW
    pltpu.sync_copy(ids_hbm.at[pl.ds(wid * NCHUNK, NCHUNK)], idx_v)
    copies = []
    for j in range(NCHUNK):
        sl = pl.ds(j * IDX_CHUNK, IDX_CHUNK)
        copies.append(pltpu.async_copy(emb_hbm.at[idx_v.at[j]], rows_v.at[sl], sem))
    for cp in copies:
        cp.wait()
    pltpu.sync_copy(rows_v, out_hbm.at[pl.ds(base, BPW), pl.ds(0, D_ART)])


BLK = 2048


def _tc_body(art_ref, sidx_ref, semb_ref, gemb_ref, gremb_ref, cemb_ref,
             gamma_ref, beta_ref, mean_ref, var_ref, w_ref, out_ref):
    scale = gamma_ref[:] * lax.rsqrt(var_ref[:] + EPS)
    shift = beta_ref[:] - mean_ref[:] * scale
    packed = lax.bitcast_convert_type(sidx_ref[:, 0:1], jnp.int32)

    def onehot_feat(idx, emb_ref, ncls):
        oh = (idx == lax.broadcasted_iota(jnp.int32, (1, ncls), 1))
        return jnp.dot(oh.astype(jnp.float32), emb_ref[:],
                       preferred_element_type=jnp.float32)

    xs = onehot_feat(packed & 63, semb_ref, 64)
    xg = onehot_feat((packed >> 6) & 31, gemb_ref, 32)
    xgr = onehot_feat((packed >> 11) & 31, gremb_ref, 32)
    xc = onehot_feat((packed >> 16) & 31, cemb_ref, 32)
    x = jnp.concatenate([art_ref[:, :D_ART], xg, xgr, xc, xs], axis=1)
    x = x * scale + shift
    out_ref[:] = jnp.dot(x, w_ref[:], preferred_element_type=jnp.float32)


def _tc_dense(art, sidx, semb, gemb, gremb, cemb, gamma, beta, mean, var, w):
    grid = (B // BLK,)
    full = lambda a: pl.BlockSpec(a.shape, lambda i: tuple(0 for _ in a.shape))
    row_blk = pl.BlockSpec((BLK, 128), lambda i: (i, 0))
    return pl.pallas_call(
        _tc_body,
        grid=grid,
        in_specs=[
            row_blk, row_blk,
            full(semb), full(gemb), full(gremb), full(cemb),
            full(gamma), full(beta), full(mean), full(var), full(w),
        ],
        out_specs=row_blk,
        out_shape=jax.ShapeDtypeStruct((B, 128), jnp.float32),
    )(art, sidx, semb, gemb, gremb, cemb, gamma, beta, mean, var, w)


def kernel(article_id, article_emb, section_map, section_emb, group_map,
           group_emb, graphical_map, graphical_emb, colour_map, colour_emb,
           gamma, beta, moving_mean, moving_var, W):
    ids = article_id.astype(jnp.int32).reshape(B // IDX_CHUNK, IDX_CHUNK)
    packed = (section_map | (group_map << 6) | (graphical_map << 11)
              | (colour_map << 16)).astype(jnp.int32)
    pmap = jnp.pad(packed, (0, PMAP_ROWS * 128 - V)).reshape(PMAP_ROWS, 128)
    sidx = _sc_maps(ids, pmap)
    art = _sc_article(ids, article_emb)
    return _tc_dense(
        art, sidx, section_emb, group_emb, graphical_emb, colour_emb,
        gamma.reshape(1, 128), beta.reshape(1, 128),
        moving_mean.reshape(1, 128), moving_var.reshape(1, 128), W)

# --- scband reference (transcript-rebuilt; emitter-appended) ---
"""Pipeline reference for scband-article-model-66898410603195 (READ-ONLY COPY).

The authoritative reference and input builder live on the scoring server;
editing this copy changes nothing except your own understanding.
"""

import jax, jax.numpy as jnp
import numpy as np

B = 16384
V = 100000
EPS = 1e-3  # Keras BatchNormalization default epsilon


def setup_inputs(seed: int = 0) -> dict:
    key = jax.random.key(seed)
    ks = jax.random.split(key, 16)
    inp = {
        "article_id": jax.random.randint(ks[0], (B,), 0, V, dtype=jnp.int64)
        if jax.config.jax_enable_x64 else jax.random.randint(ks[0], (B,), 0, V, dtype=jnp.int32),
        "article_emb": jax.random.normal(ks[1], (V, 64), dtype=jnp.float32) * 0.05,
        "section_map": jax.random.randint(ks[2], (V,), 0, 64, dtype=jnp.int32),
        "section_emb": jax.random.normal(ks[3], (64, 16), dtype=jnp.float32) * 0.05,
        "group_map": jax.random.randint(ks[4], (V,), 0, 32, dtype=jnp.int32),
        "group_emb": jax.random.normal(ks[5], (32, 16), dtype=jnp.float32) * 0.05,
        "graphical_map": jax.random.randint(ks[6], (V,), 0, 32, dtype=jnp.int32),
        "graphical_emb": jax.random.normal(ks[7], (32, 16), dtype=jnp.float32) * 0.05,
        "colour_map": jax.random.randint(ks[8], (V,), 0, 32, dtype=jnp.int32),
        "colour_emb": jax.random.normal(ks[9], (32, 16), dtype=jnp.float32) * 0.05,
        "gamma": jnp.ones((128,), dtype=jnp.float32),
        "beta": jnp.zeros((128,), dtype=jnp.float32),
        "moving_mean": jnp.zeros((128,), dtype=jnp.float32),
        "moving_var": jnp.ones((128,), dtype=jnp.float32),
        "W": jax.random.normal(ks[10], (128, 128), dtype=jnp.float32) * (1.0 / np.sqrt(128.0)),
    }
    return inp


def reference(article_id, article_emb, section_map, section_emb, group_map, group_emb,
              graphical_map, graphical_emb, colour_map, colour_emb,
              gamma, beta, moving_mean, moving_var, W):
    # article_id embedding lookup (IntegerLookup + Embedding)
    x = jnp.take(article_emb, article_id, axis=0)                     # [B, 64]
    # hashtable.lookup + StringLookup collapses to an integer mapping table
    xsection = jnp.take(section_emb, jnp.take(section_map, article_id), axis=0)      # [B, 16]
    xgroup = jnp.take(group_emb, jnp.take(group_map, article_id), axis=0)            # [B, 16]
    xgraphical = jnp.take(graphical_emb, jnp.take(graphical_map, article_id), axis=0)  # [B, 16]
    xcolour = jnp.take(colour_emb, jnp.take(colour_map, article_id), axis=0)         # [B, 16]
    # Concatenate (same order as the Keras model) + Flatten (identity on 2D)
    x = jnp.concatenate([x, xgroup, xgraphical, xcolour, xsection], axis=-1)  # [B, 128]
    # BatchNormalization in inference mode
    x = (x - moving_mean) / jnp.sqrt(moving_var + EPS) * gamma + beta
    # Dropout is identity at inference
    # Dense, linear, no bias
    out = x @ W                                                        # [B, 128]
    return out

if __name__ == "__main__":
    import jax
    _d = setup_inputs()
    print(jax.jit(kernel)(*tuple(_d.values())))

</pallas_src>

<mosaic_0001>
#map = affine_map<(d0, d1) -> (0, 0)>
module attributes {stable_mosaic.version = 14 : i64} {
  func.func @_sc_article(%arg0: i32, %arg1: i32, %arg2: memref<128x128xi32, #tpu.memory_space<hbm>>, %arg3: memref<100000x64xf32, #tpu.memory_space<hbm>>, %arg4: memref<16384x128xf32, #tpu.memory_space<hbm>>, %arg5: memref<4x128xi32, #tpu.memory_space<vmem>>, %arg6: memref<512x64xf32, #tpu.memory_space<vmem>>, %arg7: memref<!tpu.dma_semaphore, #tpu.memory_space<semaphore_mem>>) attributes {dimension_semantics = [#tpu.dimension_semantics<core_parallel>, #tpu.dimension_semantics<subcore_parallel>], iteration_bounds = array<i64: 2, 16>, scalar_prefetch = 0 : i64, scratch_operands = 3 : i64, tpu.core_type = #tpu.core_type<sc_vector_subcore>, window_params = [{transform_indices = #map}, {transform_indices = #map}, {transform_indices = #map}]} {
    %mul3A = arith.constant 2 : i32
    %mul3A_0 = arith.muli %arg1, %mul3A : i32
    %add3A = arith.addi %mul3A_0, %arg0 : i32
    %mul3A_1 = arith.constant 512 : i32
    %mul3A_2 = arith.muli %add3A, %mul3A_1 : i32
    %mul3A_3 = arith.constant 4 : i32
    %mul3A_4 = arith.muli %add3A, %mul3A_3 : i32
    "tpu.region"() ({
      %run_scoped3A = tpu.sem_alloc : memref<!tpu.dma_semaphore, #tpu.memory_space<semaphore_mem>>
      %dma_start3A_83 = arith.constant 0 : i32
      %dma_start3A_84 = tpu.memref_slice %arg2[%mul3A_4, %dma_start3A_83] : memref<128x128xi32, #tpu.memory_space<hbm>> -> memref<4x128xi32, #tpu.memory_space<hbm>>
      %dma_start3A_85 = arith.constant 0 : i32
      %dma_start3A_86 = tpu.memref_slice %arg2[%mul3A_4, %dma_start3A_85] : memref<128x128xi32, #tpu.memory_space<hbm>> -> memref<4x128xi32, #tpu.memory_space<hbm>>
      tpu.enqueue_dma source(%dma_start3A_86 : memref<4x128xi32, #tpu.memory_space<hbm>>) target(%arg5 : memref<4x128xi32, #tpu.memory_space<vmem>>) target_semaphore(%run_scoped3A : memref<!tpu.dma_semaphore, #tpu.memory_space<semaphore_mem>>)
      %dma_wait3A_87 = arith.constant 0 : i32
      %dma_wait3A_88 = tpu.memref_slice %arg2[%mul3A_4, %dma_wait3A_87] : memref<128x128xi32, #tpu.memory_space<hbm>> -> memref<4x128xi32, #tpu.memory_space<hbm>>
      %dma_wait3A_89 = arith.constant 0 : i32
      %dma_wait3A_90 = tpu.memref_slice %arg2[%mul3A_4, %dma_wait3A_89] : memref<128x128xi32, #tpu.memory_space<hbm>> -> memref<4x128xi32, #tpu.memory_space<hbm>>
      tpu.wait_dma2 semaphore(%run_scoped3A : memref<!tpu.dma_semaphore, #tpu.memory_space<semaphore_mem>>) src(%dma_wait3A_90 : memref<4x128xi32, #tpu.memory_space<hbm>>) dst(%arg5 : memref<4x128xi32, #tpu.memory_space<vmem>>)
      tpu.yield
    }) : () -> ()
    %dma_start3A = arith.constant 0 : i32
    %dma_start3A_5 = arith.constant 0 : i32
    %dma_start3A_6 = arith.constant 0 : i32
    %dma_start3A_7 = tpu.memref_slice %arg6[%dma_start3A_5, %dma_start3A_6] : memref<512x64xf32, #tpu.memory_space<vmem>> -> memref<128x64xf32, #tpu.memory_space<vmem>>
    %dma_start3A_8 = arith.constant 0 : i32
    %dma_start3A_9 = tpu.memref_slice %arg5[%dma_start3A, %dma_start3A_8] : memref<4x128xi32, #tpu.memory_space<vmem>> -> memref<1x128xi32, #tpu.memory_space<vmem>>
    %dma_start3A_10 = tpu.memref_squeeze %dma_start3A_9 : memref<1x128xi32, #tpu.memory_space<vmem>> -> memref<128xi32, #tpu.memory_space<vmem>>
    %dma_start3A_11 = arith.constant 0 : i32
    %dma_start3A_12 = arith.constant 0 : i32
    %dma_start3A_13 = tpu.memref_slice %arg3[%dma_start3A_11, %dma_start3A_12] : memref<100000x64xf32, #tpu.memory_space<hbm>> -> memref<100000x64xf32, #tpu.memory_space<hbm>>
    tpu.enqueue_indirect_dma source(%dma_start3A_13 : memref<100000x64xf32, #tpu.memory_space<hbm>>) target(%dma_start3A_7 : memref<128x64xf32, #tpu.memory_space<vmem>>) offsets(%dma_start3A_10 : memref<128xi32, #tpu.memory_space<vmem>>) semaphore(%arg7 : memref<!tpu.dma_semaphore, #tpu.memory_space<semaphore_mem>>)
    %dma_start3A_14 = arith.constant 1 : i32
    %dma_start3A_15 = arith.constant 128 : i32
    %dma_start3A_16 = arith.constant 0 : i32
    %dma_start3A_17 = tpu.memref_slice %arg6[%dma_start3A_15, %dma_start3A_16] : memref<512x64xf32, #tpu.memory_space<vmem>> -> memref<128x64xf32, #tpu.memory_space<vmem>>
    %dma_start3A_18 = arith.constant 0 : i32
    %dma_start3A_19 = tpu.memref_slice %arg5[%dma_start3A_14, %dma_start3A_18] : memref<4x128xi32, #tpu.memory_space<vmem>> -> memref<1x128xi32, #tpu.memory_space<vmem>>
    %dma_start3A_20 = tpu.memref_squeeze %dma_start3A_19 : memref<1x128xi32, #tpu.memory_space<vmem>> -> memref<128xi32, #tpu.memory_space<vmem>>
    %dma_start3A_21 = arith.constant 0 : i32
    %dma_start3A_22 = arith.constant 0 : i32
    %dma_start3A_23 = tpu.memref_slice %arg3[%dma_start3A_21, %dma_start3A_22] : memref<100000x64xf32, #tpu.memory_space<hbm>> -> memref<100000x64xf32, #tpu.memory_space<hbm>>
    tpu.enqueue_indirect_dma source(%dma_start3A_23 : memref<100000x64xf32, #tpu.memory_space<hbm>>) target(%dma_start3A_17 : memref<128x64xf32, #tpu.memory_space<vmem>>) offsets(%dma_start3A_20 : memref<128xi32, #tpu.memory_space<vmem>>) semaphore(%arg7 : memref<!tpu.dma_semaphore, #tpu.memory_space<semaphore_mem>>)
    %dma_start3A_24 = arith.constant 2 : i32
    %dma_start3A_25 = arith.constant 256 : i32
    %dma_start3A_26 = arith.constant 0 : i32
    %dma_start3A_27 = tpu.memref_slice %arg6[%dma_start3A_25, %dma_start3A_26] : memref<512x64xf32, #tpu.memory_space<vmem>> -> memref<128x64xf32, #tpu.memory_space<vmem>>
    %dma_start3A_28 = arith.constant 0 : i32
    %dma_start3A_29 = tpu.memref_slice %arg5[%dma_start3A_24, %dma_start3A_28] : memref<4x128xi32, #tpu.memory_space<vmem>> -> memref<1x128xi32, #tpu.memory_space<vmem>>
    %dma_start3A_30 = tpu.memref_squeeze %dma_start3A_29 : memref<1x128xi32, #tpu.memory_space<vmem>> -> memref<128xi32, #tpu.memory_space<vmem>>
    %dma_start3A_31 = arith.constant 0 : i32
    %dma_start3A_32 = arith.constant 0 : i32
    %dma_start3A_33 = tpu.memref_slice %arg3[%dma_start3A_31, %dma_start3A_32] : memref<100000x64xf32, #tpu.memory_space<hbm>> -> memref<100000x64xf32, #tpu.memory_space<hbm>>
    tpu.enqueue_indirect_dma source(%dma_start3A_33 : memref<100000x64xf32, #tpu.memory_space<hbm>>) target(%dma_start3A_27 : memref<128x64xf32, #tpu.memory_space<vmem>>) offsets(%dma_start3A_30 : memref<128xi32, #tpu.memory_space<vmem>>) semaphore(%arg7 : memref<!tpu.dma_semaphore, #tpu.memory_space<semaphore_mem>>)
    %dma_start3A_34 = arith.constant 3 : i32
    %dma_start3A_35 = arith.constant 384 : i32
    %dma_start3A_36 = arith.constant 0 : i32
    %dma_start3A_37 = tpu.memref_slice %arg6[%dma_start3A_35, %dma_start3A_36] : memref<512x64xf32, #tpu.memory_space<vmem>> -> memref<128x64xf32, #tpu.memory_space<vmem>>
    %dma_start3A_38 = arith.constant 0 : i32
    %dma_start3A_39 = tpu.memref_slice %arg5[%dma_start3A_34, %dma_start3A_38] : memref<4x128xi32, #tpu.memory_space<vmem>> -> memref<1x128xi32, #tpu.memory_space<vmem>>
    %dma_start3A_40 = tpu.memref_squeeze %dma_start3A_39 : memref<1x128xi32, #tpu.memory_space<vmem>> -> memref<128xi32, #tpu.memory_space<vmem>>
    %dma_start3A_41 = arith.constant 0 : i32
    %dma_start3A_42 = arith.constant 0 : i32
    %dma_start3A_43 = tpu.memref_slice %arg3[%dma_start3A_41, %dma_start3A_42] : memref<100000x64xf32, #tpu.memory_space<hbm>> -> memref<100000x64xf32, #tpu.memory_space<hbm>>
    tpu.enqueue_indirect_dma source(%dma_start3A_43 : memref<100000x64xf32, #tpu.memory_space<hbm>>) target(%dma_start3A_37 : memref<128x64xf32, #tpu.memory_space<vmem>>) offsets(%dma_start3A_40 : memref<128xi32, #tpu.memory_space<vmem>>) semaphore(%arg7 : memref<!tpu.dma_semaphore, #tpu.memory_space<semaphore_mem>>)
    %dma_wait3A = arith.constant 0 : i32
    %dma_wait3A_44 = arith.constant 0 : i32
    %dma_wait3A_45 = arith.constant 0 : i32
    %dma_wait3A_46 = tpu.memref_slice %arg6[%dma_wait3A_44, %dma_wait3A_45] : memref<512x64xf32, #tpu.memory_space<vmem>> -> memref<128x64xf32, #tpu.memory_space<vmem>>
    %dma_wait3A_47 = arith.constant 0 : i32
    %dma_wait3A_48 = tpu.memref_slice %arg5[%dma_wait3A, %dma_wait3A_47] : memref<4x128xi32, #tpu.memory_space<vmem>> -> memref<1x128xi32, #tpu.memory_space<vmem>>
    %dma_wait3A_49 = tpu.memref_squeeze %dma_wait3A_48 : memref<1x128xi32, #tpu.memory_space<vmem>> -> memref<128xi32, #tpu.memory_space<vmem>>
    %dma_wait3A_50 = arith.constant 0 : i32
    %dma_wait3A_51 = arith.constant 0 : i32
    %dma_wait3A_52 = tpu.memref_slice %arg3[%dma_wait3A_50, %dma_wait3A_51] : memref<100000x64xf32, #tpu.memory_space<hbm>> -> memref<100000x64xf32, #tpu.memory_space<hbm>>
    tpu.wait_indirect_dma semaphore(%arg7 : memref<!tpu.dma_semaphore, #tpu.memory_space<semaphore_mem>>) src(%dma_wait3A_52 : memref<100000x64xf32, #tpu.memory_space<hbm>>) dst(%dma_wait3A_46 : memref<128x64xf32, #tpu.memory_space<vmem>>)
    %dma_wait3A_53 = arith.constant 1 : i32
    %dma_wait3A_54 = arith.constant 128 : i32
    %dma_wait3A_55 = arith.constant 0 : i32
    %dma_wait3A_56 = tpu.memref_slice %arg6[%dma_wait3A_54, %dma_wait3A_55] : memref<512x64xf32, #tpu.memory_space<vmem>> -> memref<128x64xf32, #tpu.memory_space<vmem>>
    %dma_wait3A_57 = arith.constant 0 : i32
    %dma_wait3A_58 = tpu.memref_slice %arg5[%dma_wait3A_53, %dma_wait3A_57] : memref<4x128xi32, #tpu.memory_space<vmem>> -> memref<1x128xi32, #tpu.memory_space<vmem>>
    %dma_wait3A_59 = tpu.memref_squeeze %dma_wait3A_58 : memref<1x128xi32, #tpu.memory_space<vmem>> -> memref<128xi32, #tpu.memory_space<vmem>>
    %dma_wait3A_60 = arith.constant 0 : i32
    %dma_wait3A_61 = arith.constant 0 : i32
    %dma_wait3A_62 = tpu.memref_slice %arg3[%dma_wait3A_60, %dma_wait3A_61] : memref<100000x64xf32, #tpu.memory_space<hbm>> -> memref<100000x64xf32, #tpu.memory_space<hbm>>
    tpu.wait_indirect_dma semaphore(%arg7 : memref<!tpu.dma_semaphore, #tpu.memory_space<semaphore_mem>>) src(%dma_wait3A_62 : memref<100000x64xf32, #tpu.memory_space<hbm>>) dst(%dma_wait3A_56 : memref<128x64xf32, #tpu.memory_space<vmem>>)
    %dma_wait3A_63 = arith.constant 2 : i32
    %dma_wait3A_64 = arith.constant 256 : i32
    %dma_wait3A_65 = arith.constant 0 : i32
    %dma_wait3A_66 = tpu.memref_slice %arg6[%dma_wait3A_64, %dma_wait3A_65] : memref<512x64xf32, #tpu.memory_space<vmem>> -> memref<128x64xf32, #tpu.memory_space<vmem>>
    %dma_wait3A_67 = arith.constant 0 : i32
    %dma_wait3A_68 = tpu.memref_slice %arg5[%dma_wait3A_63, %dma_wait3A_67] : memref<4x128xi32, #tpu.memory_space<vmem>> -> memref<1x128xi32, #tpu.memory_space<vmem>>
    %dma_wait3A_69 = tpu.memref_squeeze %dma_wait3A_68 : memref<1x128xi32, #tpu.memory_space<vmem>> -> memref<128xi32, #tpu.memory_space<vmem>>
    %dma_wait3A_70 = arith.constant 0 : i32
    %dma_wait3A_71 = arith.constant 0 : i32
    %dma_wait3A_72 = tpu.memref_slice %arg3[%dma_wait3A_70, %dma_wait3A_71] : memref<100000x64xf32, #tpu.memory_space<hbm>> -> memref<100000x64xf32, #tpu.memory_space<hbm>>
    tpu.wait_indirect_dma semaphore(%arg7 : memref<!tpu.dma_semaphore, #tpu.memory_space<semaphore_mem>>) src(%dma_wait3A_72 : memref<100000x64xf32, #tpu.memory_space<hbm>>) dst(%dma_wait3A_66 : memref<128x64xf32, #tpu.memory_space<vmem>>)
    %dma_wait3A_73 = arith.constant 3 : i32
    %dma_wait3A_74 = arith.constant 384 : i32
    %dma_wait3A_75 = arith.constant 0 : i32
    %dma_wait3A_76 = tpu.memref_slice %arg6[%dma_wait3A_74, %dma_wait3A_75] : memref<512x64xf32, #tpu.memory_space<vmem>> -> memref<128x64xf32, #tpu.memory_space<vmem>>
    %dma_wait3A_77 = arith.constant 0 : i32
    %dma_wait3A_78 = tpu.memref_slice %arg5[%dma_wait3A_73, %dma_wait3A_77] : memref<4x128xi32, #tpu.memory_space<vmem>> -> memref<1x128xi32, #tpu.memory_space<vmem>>
    %dma_wait3A_79 = tpu.memref_squeeze %dma_wait3A_78 : memref<1x128xi32, #tpu.memory_space<vmem>> -> memref<128xi32, #tpu.memory_space<vmem>>
    %dma_wait3A_80 = arith.constant 0 : i32
    %dma_wait3A_81 = arith.constant 0 : i32
    %dma_wait3A_82 = tpu.memref_slice %arg3[%dma_wait3A_80, %dma_wait3A_81] : memref<100000x64xf32, #tpu.memory_space<hbm>> -> memref<100000x64xf32, #tpu.memory_space<hbm>>
    tpu.wait_indirect_dma semaphore(%arg7 : memref<!tpu.dma_semaphore, #tpu.memory_space<semaphore_mem>>) src(%dma_wait3A_82 : memref<100000x64xf32, #tpu.memory_space<hbm>>) dst(%dma_wait3A_76 : memref<128x64xf32, #tpu.memory_space<vmem>>)
    "tpu.region"() ({
      %run_scoped3A = tpu.sem_alloc : memref<!tpu.dma_semaphore, #tpu.memory_space<semaphore_mem>>
      %dma_start3A_83 = arith.constant 0 : i32
      %dma_start3A_84 = tpu.memref_slice %arg4[%mul3A_2, %dma_start3A_83] : memref<16384x128xf32, #tpu.memory_space<hbm>> -> memref<512x64xf32, #tpu.memory_space<hbm>>
      %dma_start3A_85 = arith.constant 0 : i32
      %dma_start3A_86 = tpu.memref_slice %arg4[%mul3A_2, %dma_start3A_85] : memref<16384x128xf32, #tpu.memory_space<hbm>> -> memref<512x64xf32, #tpu.memory_space<hbm>>
      tpu.enqueue_dma source(%arg6 : memref<512x64xf32, #tpu.memory_space<vmem>>) target(%dma_start3A_86 : memref<512x64xf32, #tpu.memory_space<hbm>>) target_semaphore(%run_scoped3A : memref<!tpu.dma_semaphore, #tpu.memory_space<semaphore_mem>>)
      %dma_wait3A_87 = arith.constant 0 : i32
      %dma_wait3A_88 = tpu.memref_slice %arg4[%mul3A_2, %dma_wait3A_87] : memref<16384x128xf32, #tpu.memory_space<hbm>> -> memref<512x64xf32, #tpu.memory_space<hbm>>
      %dma_wait3A_89 = arith.constant 0 : i32
      %dma_wait3A_90 = tpu.memref_slice %arg4[%mul3A_2, %dma_wait3A_89] : memref<16384x128xf32, #tpu.memory_space<hbm>> -> memref<512x64xf32, #tpu.memory_space<hbm>>
      tpu.wait_dma2 semaphore(%run_scoped3A : memref<!tpu.dma_semaphore, #tpu.memory_space<semaphore_mem>>) src(%arg6 : memref<512x64xf32, #tpu.memory_space<vmem>>) dst(%dma_wait3A_90 : memref<512x64xf32, #tpu.memory_space<hbm>>)
      tpu.yield
    }) : () -> ()
    return
  }
}

#map = affine_map<(d0, d1) -> (0, 0)>
module attributes {stable_mosaic.version = 14 : i64} {
  func.func @_sc_maps(%arg0: i32, %arg1: i32, %arg2: memref<128x128xi32, #tpu.memory_space<hbm>>, %arg3: memref<782x128xi32, #tpu.memory_space<hbm>>, %arg4: memref<16384x128xf32, #tpu.memory_space<hbm>>, %arg5: memref<4x128xi32, #tpu.memory_space<vmem>>, %arg6: memref<4x128xi32, #tpu.memory_space<vmem>>, %arg7: memref<512x128xi32, #tpu.memory_space<vmem>>, %arg8: memref<512x4xf32, #tpu.memory_space<vmem>>, %arg9: memref<!tpu.dma_semaphore, #tpu.memory_space<semaphore_mem>>) attributes {dimension_semantics = [#tpu.dimension_semantics<core_parallel>, #tpu.dimension_semantics<subcore_parallel>], iteration_bounds = array<i64: 2, 16>, scalar_prefetch = 0 : i64, scratch_operands = 5 : i64, tpu.core_type = #tpu.core_type<sc_vector_subcore>, window_params = [{transform_indices = #map}, {transform_indices = #map}, {transform_indices = #map}]} {
    %mul3A = arith.constant 2 : i32
    %mul3A_0 = arith.muli %arg1, %mul3A : i32
    %add3A = arith.addi %mul3A_0, %arg0 : i32
    %mul3A_1 = arith.constant 512 : i32
    %mul3A_2 = arith.muli %add3A, %mul3A_1 : i32
    %mul3A_3 = arith.constant 4 : i32
    %mul3A_4 = arith.muli %add3A, %mul3A_3 : i32
    "tpu.region"() ({
      %run_scoped3A = tpu.sem_alloc : memref<!tpu.dma_semaphore, #tpu.memory_space<semaphore_mem>>
      %dma_start3A_814 = arith.constant 0 : i32
      %dma_start3A_815 = tpu.memref_slice %arg2[%mul3A_4, %dma_start3A_814] : memref<128x128xi32, #tpu.memory_space<hbm>> -> memref<4x128xi32, #tpu.memory_space<hbm>>
      %dma_start3A_816 = arith.constant 0 : i32
      %dma_start3A_817 = tpu.memref_slice %arg2[%mul3A_4, %dma_start3A_816] : memref<128x128xi32, #tpu.memory_space<hbm>> -> memref<4x128xi32, #tpu.memory_space<hbm>>
      tpu.enqueue_dma source(%dma_start3A_817 : memref<4x128xi32, #tpu.memory_space<hbm>>) target(%arg5 : memref<4x128xi32, #tpu.memory_space<vmem>>) target_semaphore(%run_scoped3A : memref<!tpu.dma_semaphore, #tpu.memory_space<semaphore_mem>>)
      %dma_wait3A_818 = arith.constant 0 : i32
      %dma_wait3A_819 = tpu.memref_slice %arg2[%mul3A_4, %dma_wait3A_818] : memref<128x128xi32, #tpu.memory_space<hbm>> -> memref<4x128xi32, #tpu.memory_space<hbm>>
      %dma_wait3A_820 = arith.constant 0 : i32
      %dma_wait3A_821 = tpu.memref_slice %arg2[%mul3A_4, %dma_wait3A_820] : memref<128x128xi32, #tpu.memory_space<hbm>> -> memref<4x128xi32, #tpu.memory_space<hbm>>
      tpu.wait_dma2 semaphore(%run_scoped3A : memref<!tpu.dma_semaphore, #tpu.memory_space<semaphore_mem>>) src(%dma_wait3A_821 : memref<4x128xi32, #tpu.memory_space<hbm>>) dst(%arg5 : memref<4x128xi32, #tpu.memory_space<vmem>>)
      tpu.yield
    }) : () -> ()
    %get3A = arith.constant 0 : i32
    %get3A_5 = arith.index_cast %get3A : i32 to index
    %get3A_6 = arith.constant 0 : index
    %get3A_7 = tpu.vector_load %arg5[%get3A_5, %get3A_6] {strides = array<i32>} : memref<4x128xi32, #tpu.memory_space<vmem>>, vector<16xi32>,
    %shift_right_logical3A = arith.constant 7 : i32
    %shift_right_logical3A_8 = vector.broadcast %shift_right_logical3A : i32 to vector<16xi32>
    %shift_right_logical3A_9 = arith.shrui %get3A_7, %shift_right_logical3A_8 : vector<16xi32>
    %swap3A = arith.constant 0 : i32
    %swap3A_10 = arith.index_cast %swap3A : i32 to index
    %swap3A_11 = arith.constant 0 : index
    %swap3A_12 = tpu.vector_load %arg6[%swap3A_10, %swap3A_11] {strides = array<i32>} : memref<4x128xi32, #tpu.memory_space<vmem>>, vector<16xi32>,
    tpu.vector_store %arg6[%swap3A_10, %swap3A_11], %shift_right_logical3A_9 {strides = array<i32>} : memref<4x128xi32, #tpu.memory_space<vmem>>, vector<16xi32>,
    %get3A_13 = arith.constant 0 : i32
    %get3A_14 = arith.index_cast %get3A_13 : i32 to index
    %get3A_15 = arith.constant 16 : index
    %get3A_16 = tpu.vector_load %arg5[%get3A_14, %get3A_15] {strides = array<i32>} : memref<4x128xi32, #tpu.memory_space<vmem>>, vector<16xi32>,
    %shift_right_logical3A_17 = arith.constant 7 : i32
    %shift_right_logical3A_18 = vector.broadcast %shift_right_logical3A_17 : i32 to vector<16xi32>
    %shift_right_logical3A_19 = arith.shrui %get3A_16, %shift_right_logical3A_18 : vector<16xi32>
    %swap3A_20 = arith.constant 0 : i32
    %swap3A_21 = arith.index_cast %swap3A_20 : i32 to index
    %swap3A_22 = arith.constant 16 : index
    %swap3A_23 = tpu.vector_load %arg6[%swap3A_21, %swap3A_22] {strides = array<i32>} : memref<4x128xi32, #tpu.memory_space<vmem>>, vector<16xi32>,
    tpu.vector_store %arg6[%swap3A_21, %swap3A_22], %shift_right_logical3A_19 {strides = array<i32>} : memref<4x128xi32, #tpu.memory_space<vmem>>, vector<16xi32>,
    %get3A_24 = arith.constant 0 : i32
    %get3A_25 = arith.index_cast %get3A_24 : i32 to index
    %get3A_26 = arith.constant 32 : index
    %get3A_27 = tpu.vector_load %arg5[%get3A_25, %get3A_26] {strides = array<i32>} : memref<4x128xi32, #tpu.memory_space<vmem>>, vector<16xi32>,
    %shift_right_logical3A_28 = arith.constant 7 : i32
    %shift_right_logical3A_29 = vector.broadcast %shift_right_logical3A_28 : i32 to vector<16xi32>
    %shift_right_logical3A_30 = arith.shrui %get3A_27, %shift_right_logical3A_29 : vector<16xi32>
    %swap3A_31 = arith.constant 0 : i32
    %swap3A_32 = arith.index_cast %swap3A_31 : i32 to index
    %swap3A_33 = arith.constant 32 : index
    %swap3A_34 = tpu.vector_load %arg6[%swap3A_32, %swap3A_33] {strides = array<i32>} : memref<4x128xi32, #tpu.memory_space<vmem>>, vector<16xi32>,
    tpu.vector_store %arg6[%swap3A_32, %swap3A_33], %shift_right_logical3A_30 {strides = array<i32>} : memref<4x128xi32, #tpu.memory_space<vmem>>, vector<16xi32>,
    %get3A_35 = arith.constant 0 : i32
    %get3A_36 = arith.index_cast %get3A_35 : i32 to index
    %get3A_37 = arith.constant 48 : index
    %get3A_38 = tpu.vector_load %arg5[%get3A_36, %get3A_37] {strides = array<i32>} : memref<4x128xi32, #tpu.memory_space<vmem>>, vector<16xi32>,
    %shift_right_logical3A_39 = arith.constant 7 : i32
    %shift_right_logical3A_40 = vector.broadcast %shift_right_logical3A_39 : i32 to vector<16xi32>
    %shift_right_logical3A_41 = arith.shrui %get3A_38, %shift_right_logical3A_40 : vector<16xi32>
    %swap3A_42 = arith.constant 0 : i32
    %swap3A_43 = arith.index_cast %swap3A_42 : i32 to index
    %swap3A_44 = arith.constant 48 : index
    %swap3A_45 = tpu.vector_load %arg6[%swap3A_43, %swap3A_44] {strides = array<i32>} : memref<4x128xi32, #tpu.memory_space<vmem>>, vector<16xi32>,
    tpu.vector_store %arg6[%swap3A_43, %swap3A_44], %shift_right_logical3A_41 {strides = array<i32>} : memref<4x128xi32, #tpu.memory_space<vmem>>, vector<16xi32>,
    %get3A_46 = arith.constant 0 : i32
    %get3A_47 = arith.index_cast %get3A_46 : i32 to index
    %get3A_48 = arith.constant 64 : index
    %get3A_49 = tpu.vector_load %arg5[%get3A_47, %get3A_48] {strides = array<i32>} : memref<4x128xi32, #tpu.memory_space<vmem>>, vector<16xi32>,
    %shift_right_logical3A_50 = arith.constant 7 : i32
    %shift_right_logical3A_51 = vector.broadcast %shift_right_logical3A_50 : i32 to vector<16xi32>
    %shift_right_logical3A_52 = arith.shrui %get3A_49, %shift_right_logical3A_51 : vector<16xi32>
    %swap3A_53 = arith.constant 0 : i32
    %swap3A_54 = arith.index_cast %swap3A_53 : i32 to index
    %swap3A_55 = arith.constant 64 : index
    %swap3A_56 = tpu.vector_load %arg6[%swap3A_54, %swap3A_55] {strides = array<i32>} : memref<4x128xi32, #tpu.memory_space<vmem>>, vector<16xi32>,
    tpu.vector_store %arg6[%swap3A_54, %swap3A_55], %shift_right_logical3A_52 {strides = array<i32>} : memref<4x128xi32, #tpu.memory_space<vmem>>, vector<16xi32>,
    %get3A_57 = arith.constant 0 : i32
    %get3A_58 = arith.index_cast %get3A_57 : i32 to index
    %get3A_59 = arith.constant 80 : index
    %get3A_60 = tpu.vector_load %arg5[%get3A_58, %get3A_59] {strides = array<i32>} : memref<4x128xi32, #tpu.memory_space<vmem>>, vector<16xi32>,
    %shift_right_logical3A_61 = arith.constant 7 : i32
    %shift_right_logical3A_62 = vector.broadcast %shift_right_logical3A_61 : i32 to vector<16xi32>
    %shift_right_logical3A_63 = arith.shrui %get3A_60, %shift_right_logical3A_62 : vector<16xi32>
    %swap3A_64 = arith.constant 0 : i32
    %swap3A_65 = arith.index_cast %swap3A_64 : i32 to index
    %swap3A_66 = arith.constant 80 : index
    %swap3A_67 = tpu.vector_load %arg6[%swap3A_65, %swap3A_66] {strides = array<i32>} : memref<4x128xi32, #tpu.memory_space<vmem>>, vector<16xi32>,
    tpu.vector_store %arg6[%swap3A_65, %swap3A_66], %shift_right_logical3A_63 {strides = array<i32>} : memref<4x128xi32, #tpu.memory_space<vmem>>, vector<16xi32>,
    %get3A_68 = arith.constant 0 : i32
    %get3A_69 = arith.index_cast %get3A_68 : i32 to index
    %get3A_70 = arith.constant 96 : index
    %get3A_71 = tpu.vector_load %arg5[%get3A_69, %get3A_70] {strides = array<i32>} : memref<4x128xi32, #tpu.memory_space<vmem>>, vector<16xi32>,
    %shift_right_logical3A_72 = arith.constant 7 : i32
    %shift_right_logical3A_73 = vector.broadcast %shift_right_logical3A_72 : i32 to vector<16xi32>
    %shift_right_logical3A_74 = arith.shrui %get3A_71, %shift_right_logical3A_73 : vector<16xi32>
    %swap3A_75 = arith.constant 0 : i32
    %swap3A_76 = arith.index_cast %swap3A_75 : i32 to index
    %swap3A_77 = arith.constant 96 : index
    %swap3A_78 = tpu.vector_load %arg6[%swap3A_76, %swap3A_77] {strides = array<i32>} : memref<4x128xi32, #tpu.memory_space<vmem>>, vector<16xi32>,
    tpu.vector_store %arg6[%swap3A_76, %swap3A_77], %shift_right_logical3A_74 {strides = array<i32>} : memref<4x128xi32, #tpu.memory_space<vmem>>, vector<16xi32>,
    %get3A_79 = arith.constant 0 : i32
    %get3A_80 = arith.index_cast %get3A_79 : i32 to index
    %get3A_81 = arith.constant 112 : index
    %get3A_82 = tpu.vector_load %arg5[%get3A_80, %get3A_81] {strides = array<i32>} : memref<4x128xi32, #tpu.memory_space<vmem>>, vector<16xi32>,
    %shift_right_logical3A_83 = arith.constant 7 : i32
    %shift_right_logical3A_84 = vector.broadcast %shift_right_logical3A_83 : i32 to vector<16xi32>
    %shift_right_logical3A_85 = arith.shrui %get3A_82, %shift_right_logical3A_84 : vector<16xi32>
    %swap3A_86 = arith.constant 0 : i32
    %swap3A_87 = arith.index_cast %swap3A_86 : i32 to index
    %swap3A_88 = arith.constant 112 : index
    %swap3A_89 = tpu.vector_load %arg6[%swap3A_87, %swap3A_88] {strides = array<i32>} : memref<4x128xi32, #tpu.memory_space<vmem>>, vector<16xi32>,
    tpu.vector_store %arg6[%swap3A_87, %swap3A_88], %shift_right_logical3A_85 {strides = array<i32>} : memref<4x128xi32, #tpu.memory_space<vmem>>, vector<16xi32>,
    %get3A_90 = arith.constant 1 : i32
    %get3A_91 = arith.index_cast %get3A_90 : i32 to index
    %get3A_92 = arith.constant 0 : index
    %get3A_93 = tpu.vector_load %arg5[%get3A_91, %get3A_92] {strides = array<i32>} : memref<4x128xi32, #tpu.memory_space<vmem>>, vector<16xi32>,
    %shift_right_logical3A_94 = arith.constant 7 : i32
    %shift_right_logical3A_95 = vector.broadcast %shift_right_logical3A_94 : i32 to vector<16xi32>
    %shift_right_logical3A_96 = arith.shrui %get3A_93, %shift_right_logical3A_95 : vector<16xi32>
    %swap3A_97 = arith.constant 1 : i32
    %swap3A_98 = arith.index_cast %swap3A_97 : i32 to index
    %swap3A_99 = arith.constant 0 : index
    %swap3A_100 = tpu.vector_load %arg6[%swap3A_98, %swap3A_99] {strides = array<i32>} : memref<4x128xi32, #tpu.memory_space<vmem>>, vector<16xi32>,
    tpu.vector_store %arg6[%swap3A_98, %swap3A_99], %shift_right_logical3A_96 {strides = array<i32>} : memref<4x128xi32, #tpu.memory_space<vmem>>, vector<16xi32>,
    %get3A_101 = arith.constant 1 : i32
    %get3A_102 = arith.index_cast %get3A_101 : i32 to index
    %get3A_103 = arith.constant 16 : index
    %get3A_104 = tpu.vector_load %arg5[%get3A_102, %get3A_103] {strides = array<i32>} : memref<4x128xi32, #tpu.memory_space<vmem>>, vector<16xi32>,
    %shift_right_logical3A_105 = arith.constant 7 : i32
    %shift_right_logical3A_106 = vector.broadcast %shift_right_logical3A_105 : i32 to vector<16xi32>
    %shift_right_logical3A_107 = arith.shrui %get3A_104, %shift_right_logical3A_106 : vector<16xi32>
    %swap3A_108 = arith.constant 1 : i32
    %swap3A_109 = arith.index_cast %swap3A_108 : i32 to index
    %swap3A_110 = arith.constant 16 : index
    %swap3A_111 = tpu.vector_load %arg6[%swap3A_109, %swap3A_110] {strides = array<i32>} : memref<4x128xi32, #tpu.memory_space<vmem>>, vector<16xi32>,
    tpu.vector_store %arg6[%swap3A_109, %swap3A_110], %shift_right_logical3A_107 {strides = array<i32>} : memref<4x128xi32, #tpu.memory_space<vmem>>, vector<16xi32>,
    %get3A_112 = arith.constant 1 : i32
    %get3A_113 = arith.index_cast %get3A_112 : i32 to index
    %get3A_114 = arith.constant 32 : index
    %get3A_115 = tpu.vector_load %arg5[%get3A_113, %get3A_114] {strides = array<i32>} : memref<4x128xi32, #tpu.memory_space<vmem>>, vector<16xi32>,
    %shift_right_logical3A_116 = arith.constant 7 : i32
    %shift_right_logical3A_117 = vector.broadcast %shift_right_logical3A_116 : i32 to vector<16xi32>
    %shift_right_logical3A_118 = arith.shrui %get3A_115, %shift_right_logical3A_117 : vector<16xi32>
    %swap3A_119 = arith.constant 1 : i32
    %swap3A_120 = arith.index_cast %swap3A_119 : i32 to index
    %swap3A_121 = arith.constant 32 : index
    %swap3A_122 = tpu.vector_load %arg6[%swap3A_120, %swap3A_121] {strides = array<i32>} : memref<4x128xi32, #tpu.memory_space<vmem>>, vector<16xi32>,
    tpu.vector_store %arg6[%swap3A_120, %swap3A_121], %shift_right_logical3A_118 {strides = array<i32>} : memref<4x128xi32, #tpu.memory_space<vmem>>, vector<16xi32>,
    %get3A_123 = arith.constant 1 : i32
    %get3A_124 = arith.index_cast %get3A_123 : i32 to index
    %get3A_125 = arith.constant 48 : index
    %get3A_126 = tpu.vector_load %arg5[%get3A_124, %get3A_125] {strides = array<i32>} : memref<4x128xi32, #tpu.memory_space<vmem>>, vector<16xi32>,
    %shift_right_logical3A_127 = arith.constant 7 : i32
    %shift_right_logical3A_128 = vector.broadcast %shift_right_logical3A_127 : i32 to vector<16xi32>
    %shift_right_logical3A_129 = arith.shrui %get3A_126, %shift_right_logical3A_128 : vector<16xi32>
    %swap3A_130 = arith.constant 1 : i32
    %swap3A_131 = arith.index_cast %swap3A_130 : i32 to index
    %swap3A_132 = arith.constant 48 : index
    %swap3A_133 = tpu.vector_load %arg6[%swap3A_131, %swap3A_132] {strides = array<i32>} : memref<4x128xi32, #tpu.memory_space<vmem>>, vector<16xi32>,
    tpu.vector_store %arg6[%swap3A_131, %swap3A_132], %shift_right_logical3A_129 {strides = array<i32>} : memref<4x128xi32, #tpu.memory_space<vmem>>, vector<16xi32>,
    %get3A_134 = arith.constant 1 : i32
    %get3A_135 = arith.index_cast %get3A_134 : i32 to index
    %get3A_136 = arith.constant 64 : index
    %get3A_137 = tpu.vector_load %arg5[%get3A_135, %get3A_136] {strides = array<i32>} : memref<4x128xi32, #tpu.memory_space<vmem>>, vector<16xi32>,
    %shift_right_logical3A_138 = arith.constant 7 : i32
    %shift_right_logical3A_139 = vector.broadcast %shift_right_logical3A_138 : i32 to vector<16xi32>
    %shift_right_logical3A_140 = arith.shrui %get3A_137, %shift_right_logical3A_139 : vector<16xi32>
    %swap3A_141 = arith.constant 1 : i32
    %swap3A_142 = arith.index_cast %swap3A_141 : i32 to index
    %swap3A_143 = arith.constant 64 : index
    %swap3A_144 = tpu.vector_load %arg6[%swap3A_142, %swap3A_143] {strides = array<i32>} : memref<4x128xi32, #tpu.memory_space<vmem>>, vector<16xi32>,
    tpu.vector_store %arg6[%swap3A_142, %swap3A_143], %shift_right_logical3A_140 {strides = array<i32>} : memref<4x128xi32, #tpu.memory_space<vmem>>, vector<16xi32>,
    %get3A_145 = arith.constant 1 : i32
    %get3A_146 = arith.index_cast %get3A_145 : i32 to index
    %get3A_147 = arith.constant 80 : index
    %get3A_148 = tpu.vector_load %arg5[%get3A_146, %get3A_147] {strides = array<i32>} : memref<4x128xi32, #tpu.memory_space<vmem>>, vector<16xi32>,
    %shift_right_logical3A_149 = arith.constant 7 : i32
    %shift_right_logical3A_150 = vector.broadcast %shift_right_logical3A_149 : i32 to vector<16xi32>
    %shift_right_logical3A_151 = arith.shrui %get3A_148, %shift_right_logical3A_150 : vector<16xi32>
    %swap3A_152 = arith.constant 1 : i32
    %swap3A_153 = arith.index_cast %swap3A_152 : i32 to index
    %swap3A_154 = arith.constant 80 : index
    %swap3A_155 = tpu.vector_load %arg6[%swap3A_153, %swap3A_154] {strides = array<i32>} : memref<4x128xi32, #tpu.memory_space<vmem>>, vector<16xi32>,
    tpu.vector_store %arg6[%swap3A_153, %swap3A_154], %shift_right_logical3A_151 {strides = array<i32>} : memref<4x128xi32, #tpu.memory_space<vmem>>, vector<16xi32>,
    %get3A_156 = arith.constant 1 : i32
    %get3A_157 = arith.index_cast %get3A_156 : i32 to index
    %get3A_158 = arith.constant 96 : index
    %get3A_159 = tpu.vector_load %arg5[%get3A_157, %get3A_158] {strides = array<i32>} : memref<4x128xi32, #tpu.memory_space<vmem>>, vector<16xi32>,
    %shift_right_logical3A_160 = arith.constant 7 : i32
    %shift_right_logical3A_161 = vector.broadcast %shift_right_logical3A_160 : i32 to vector<16xi32>
    %shift_right_logical3A_162 = arith.shrui %get3A_159, %shift_right_logical3A_161 : vector<16xi32>
    %swap3A_163 = arith.constant 1 : i32
    %swap3A_164 = arith.index_cast %swap3A_163 : i32 to index
    %swap3A_165 = arith.constant 96 : index
    %swap3A_166 = tpu.vector_load %arg6[%swap3A_164, %swap3A_165] {strides = array<i32>} : memref<4x128xi32, #tpu.memory_space<vmem>>, vector<16xi32>,
    tpu.vector_store %arg6[%swap3A_164, %swap3A_165], %shift_right_logical3A_162 {strides = array<i32>} : memref<4x128xi32, #tpu.memory_space<vmem>>, vector<16xi32>,
    %get3A_167 = arith.constant 1 : i32
    %get3A_168 = arith.index_cast %get3A_167 : i32 to index
    %get3A_169 = arith.constant 112 : index
    %get3A_170 = tpu.vector_load %arg5[%get3A_168, %get3A_169] {strides = array<i32>} : memref<4x128xi32, #tpu.memory_space<vmem>>, vector<16xi32>,
    %shift_right_logical3A_171 = arith.constant 7 : i32
    %shift_right_logical3A_172 = vector.broadcast %shift_right_logical3A_171 : i32 to vector<16xi32>
    %shift_right_logical3A_173 = arith.shrui %get3A_170, %shift_right_logical3A_172 : vector<16xi32>
    %swap3A_174 = arith.constant 1 : i32
    %swap3A_175 = arith.index_cast %swap3A_174 : i32 to index
    %swap3A_176 = arith.constant 112 : index
    %swap3A_177 = tpu.vector_load %arg6[%swap3A_175, %swap3A_176] {strides = array<i32>} : memref<4x128xi32, #tpu.memory_space<vmem>>, vector<16xi32>,
    tpu.vector_store %arg6[%swap3A_175, %swap3A_176], %shift_right_logical3A_173 {strides = array<i32>} : memref<4x128xi32, #tpu.memory_space<vmem>>, vector<16xi32>,
    %get3A_178 = arith.constant 2 : i32
    %get3A_179 = arith.index_cast %get3A_178 : i32 to index
    %get3A_180 = arith.constant 0 : index
    %get3A_181 = tpu.vector_load %arg5[%get3A_179, %get3A_180] {strides = array<i32>} : memref<4x128xi32, #tpu.memory_space<vmem>>, vector<16xi32>,
    %shift_right_logical3A_182 = arith.constant 7 : i32
    %shift_right_logical3A_183 = vector.broadcast %shift_right_logical3A_182 : i32 to vector<16xi32>
    %shift_right_logical3A_184 = arith.shrui %get3A_181, %shift_right_logical3A_183 : vector<16xi32>
    %swap3A_185 = arith.constant 2 : i32
    %swap3A_186 = arith.index_cast %swap3A_185 : i32 to index
    %swap3A_187 = arith.constant 0 : index
    %swap3A_188 = tpu.vector_load %arg6[%swap3A_186, %swap3A_187] {strides = array<i32>} : memref<4x128xi32, #tpu.memory_space<vmem>>, vector<16xi32>,
    tpu.vector_store %arg6[%swap3A_186, %swap3A_187], %shift_right_logical3A_184 {strides = array<i32>} : memref<4x128xi32, #tpu.memory_space<vmem>>, vector<16xi32>,
    %get3A_189 = arith.constant 2 : i32
    %get3A_190 = arith.index_cast %get3A_189 : i32 to index
    %get3A_191 = arith.constant 16 : index
    %get3A_192 = tpu.vector_load %arg5[%get3A_190, %get3A_191] {strides = array<i32>} : memref<4x128xi32, #tpu.memory_space<vmem>>, vector<16xi32>,
    %shift_right_logical3A_193 = arith.constant 7 : i32
    %shift_right_logical3A_194 = vector.broadcast %shift_right_logical3A_193 : i32 to vector<16xi32>
    %shift_right_logical3A_195 = arith.shrui %get3A_192, %shift_right_logical3A_194 : vector<16xi32>
    %swap3A_196 = arith.constant 2 : i32
    %swap3A_197 = arith.index_cast %swap3A_196 : i32 to index
    %swap3A_198 = arith.constant 16 : index
    %swap3A_199 = tpu.vector_load %arg6[%swap3A_197, %swap3A_198] {strides = array<i32>} : memref<4x128xi32, #tpu.memory_space<vmem>>, vector<16xi32>,
    tpu.vector_store %arg6[%swap3A_197, %swap3A_198], %shift_right_logical3A_195 {strides = array<i32>} : memref<4x128xi32, #tpu.memory_space<vmem>>, vector<16xi32>,
    %get3A_200 = arith.constant 2 : i32
    %get3A_201 = arith.index_cast %get3A_200 : i32 to index
    %get3A_202 = arith.constant 32 : index
    %get3A_203 = tpu.vector_load %arg5[%get3A_201, %get3A_202] {strides = array<i32>} : memref<4x128xi32, #tpu.memory_space<vmem>>, vector<16xi32>,
    %shift_right_logical3A_204 = arith.constant 7 : i32
    %shift_right_logical3A_205 = vector.broadcast %shift_right_logical3A_204 : i32 to vector<16xi32>
    %shift_right_logical3A_206 = arith.shrui %get3A_203, %shift_right_logical3A_205 : vector<16xi32>
    %swap3A_207 = arith.constant 2 : i32
    %swap3A_208 = arith.index_cast %swap3A_207 : i32 to index
    %swap3A_209 = arith.constant 32 : index
    %swap3A_210 = tpu.vector_load %arg6[%swap3A_208, %swap3A_209] {strides = array<i32>} : memref<4x128xi32, #tpu.memory_space<vmem>>, vector<16xi32>,
    tpu.vector_store %arg6[%swap3A_208, %swap3A_209], %shift_right_logical3A_206 {strides = array<i32>} : memref<4x128xi32, #tpu.memory_space<vmem>>, vector<16xi32>,
    %get3A_211 = arith.constant 2 : i32
    %get3A_212 = arith.index_cast %get3A_211 : i32 to index
    %get3A_213 = arith.constant 48 : index
    %get3A_214 = tpu.vector_load %arg5[%get3A_212, %get3A_213] {strides = array<i32>} : memref<4x128xi32, #tpu.memory_space<vmem>>, vector<16xi32>,
    %shift_right_logical3A_215 = arith.constant 7 : i32
    %shift_right_logical3A_216 = vector.broadcast %shift_right_logical3A_215 : i32 to vector<16xi32>
    %shift_right_logical3A_217 = arith.shrui %get3A_214, %shift_right_logical3A_216 : vector<16xi32>
    %swap3A_218 = arith.constant 2 : i32
    %swap3A_219 = arith.index_cast %swap3A_218 : i32 to index
    %swap3A_220 = arith.constant 48 : index
    %swap3A_221 = tpu.vector_load %arg6[%swap3A_219, %swap3A_220] {strides = array<i32>} : memref<4x128xi32, #tpu.memory_space<vmem>>, vector<16xi32>,
    tpu.vector_store %arg6[%swap3A_219, %swap3A_220], %shift_right_logical3A_217 {strides = array<i32>} : memref<4x128xi32, #tpu.memory_space<vmem>>, vector<16xi32>,
    %get3A_222 = arith.constant 2 : i32
    %get3A_223 = arith.index_cast %get3A_222 : i32 to index
    %get3A_224 = arith.constant 64 : index
    %get3A_225 = tpu.vector_load %arg5[%get3A_223, %get3A_224] {strides = array<i32>} : memref<4x128xi32, #tpu.memory_space<vmem>>, vector<16xi32>,
    %shift_right_logical3A_226 = arith.constant 7 : i32
    %shift_right_logical3A_227 = vector.broadcast %shift_right_logical3A_226 : i32 to vector<16xi32>
    %shift_right_logical3A_228 = arith.shrui %get3A_225, %shift_right_logical3A_227 : vector<16xi32>
    %swap3A_229 = arith.constant 2 : i32
    %swap3A_230 = arith.index_cast %swap3A_229 : i32 to index
    %swap3A_231 = arith.constant 64 : index
    %swap3A_232 = tpu.vector_load %arg6[%swap3A_230, %swap3A_231] {strides = array<i32>} : memref<4x128xi32, #tpu.memory_space<vmem>>, vector<16xi32>,
    tpu.vector_store %arg6[%swap3A_230, %swap3A_231], %shift_right_logical3A_228 {strides = array<i32>} : memref<4x128xi32, #tpu.memory_space<vmem>>, vector<16xi32>,
    %get3A_233 = arith.constant 2 : i32
    %get3A_234 = arith.index_cast %get3A_233 : i32 to index
    %get3A_235 = arith.constant 80 : index
    %get3A_236 = tpu.vector_load %arg5[%get3A_234, %get3A_235] {strides = array<i32>} : memref<4x128xi32, #tpu.memory_space<vmem>>, vector<16xi32>,
    %shift_right_logical3A_237 = arith.constant 7 : i32
    %shift_right_logical3A_238 = vector.broadcast %shift_right_logical3A_237 : i32 to vector<16xi32>
    %shift_right_logical3A_239 = arith.shrui %get3A_236, %shift_right_logical3A_238 : vector<16xi32>
    %swap3A_240 = arith.constant 2 : i32
    %swap3A_241 = arith.index_cast %swap3A_240 : i32 to index
    %swap3A_242 = arith.constant 80 : index
    %swap3A_243 = tpu.vector_load %arg6[%swap3A_241, %swap3A_242] {strides = array<i32>} : memref<4x128xi32, #tpu.memory_space<vmem>>, vector<16xi32>,
    tpu.vector_store %arg6[%swap3A_241, %swap3A_242], %shift_right_logical3A_239 {strides = array<i32>} : memref<4x128xi32, #tpu.memory_space<vmem>>, vector<16xi32>,
    %get3A_244 = arith.constant 2 : i32
    %get3A_245 = arith.index_cast %get3A_244 : i32 to index
    %get3A_246 = arith.constant 96 : index
    %get3A_247 = tpu.vector_load %arg5[%get3A_245, %get3A_246] {strides = array<i32>} : memref<4x128xi32, #tpu.memory_space<vmem>>, vector<16xi32>,
    %shift_right_logical3A_248 = arith.constant 7 : i32
    %shift_right_logical3A_249 = vector.broadcast %shift_right_logical3A_248 : i32 to vector<16xi32>
    %shift_right_logical3A_250 = arith.shrui %get3A_247, %shift_right_logical3A_249 : vector<16xi32>
    %swap3A_251 = arith.constant 2 : i32
    %swap3A_252 = arith.index_cast %swap3A_251 : i32 to index
    %swap3A_253 = arith.constant 96 : index
    %swap3A_254 = tpu.vector_load %arg6[%swap3A_252, %swap3A_253] {strides = array<i32>} : memref<4x128xi32, #tpu.memory_space<vmem>>, vector<16xi32>,
    tpu.vector_store %arg6[%swap3A_252, %swap3A_253], %shift_right_logical3A_250 {strides = array<i32>} : memref<4x128xi32, #tpu.memory_space<vmem>>, vector<16xi32>,
    %get3A_255 = arith.constant 2 : i32
    %get3A_256 = arith.index_cast %get3A_255 : i32 to index
    %get3A_257 = arith.constant 112 : index
    %get3A_258 = tpu.vector_load %arg5[%get3A_256, %get3A_257] {strides = array<i32>} : memref<4x128xi32, #tpu.memory_space<vmem>>, vector<16xi32>,
    %shift_right_logical3A_259 = arith.constant 7 : i32
    %shift_right_logical3A_260 = vector.broadcast %shift_right_logical3A_259 : i32 to vector<16xi32>
    %shift_right_logical3A_261 = arith.shrui %get3A_258, %shift_right_logical3A_260 : vector<16xi32>
    %swap3A_262 = arith.constant 2 : i32
    %swap3A_263 = arith.index_cast %swap3A_262 : i32 to index
    %swap3A_264 = arith.constant 112 : index
    %swap3A_265 = tpu.vector_load %arg6[%swap3A_263, %swap3A_264] {strides = array<i32>} : memref<4x128xi32, #tpu.memory_space<vmem>>, vector<16xi32>,
    tpu.vector_store %arg6[%swap3A_263, %swap3A_264], %shift_right_logical3A_261 {strides = array<i32>} : memref<4x128xi32, #tpu.memory_space<vmem>>, vector<16xi32>,
    %get3A_266 = arith.constant 3 : i32
    %get3A_267 = arith.index_cast %get3A_266 : i32 to index
    %get3A_268 = arith.constant 0 : index
    %get3A_269 = tpu.vector_load %arg5[%get3A_267, %get3A_268] {strides = array<i32>} : memref<4x128xi32, #tpu.memory_space<vmem>>, vector<16xi32>,
    %shift_right_logical3A_270 = arith.constant 7 : i32
    %shift_right_logical3A_271 = vector.broadcast %shift_right_logical3A_270 : i32 to vector<16xi32>
    %shift_right_logical3A_272 = arith.shrui %get3A_269, %shift_right_logical3A_271 : vector<16xi32>
    %swap3A_273 = arith.constant 3 : i32
    %swap3A_274 = arith.index_cast %swap3A_273 : i32 to index
    %swap3A_275 = arith.constant 0 : index
    %swap3A_276 = tpu.vector_load %arg6[%swap3A_274, %swap3A_275] {strides = array<i32>} : memref<4x128xi32, #tpu.memory_space<vmem>>, vector<16xi32>,
    tpu.vector_store %arg6[%swap3A_274, %swap3A_275], %shift_right_logical3A_272 {strides = array<i32>} : memref<4x128xi32, #tpu.memory_space<vmem>>, vector<16xi32>,
    %get3A_277 = arith.constant 3 : i32
    %get3A_278 = arith.index_cast %get3A_277 : i32 to index
    %get3A_279 = arith.constant 16 : index
    %get3A_280 = tpu.vector_load %arg5[%get3A_278, %get3A_279] {strides = array<i32>} : memref<4x128xi32, #tpu.memory_space<vmem>>, vector<16xi32>,
    %shift_right_logical3A_281 = arith.constant 7 : i32
    %shift_right_logical3A_282 = vector.broadcast %shift_right_logical3A_281 : i32 to vector<16xi32>
    %shift_right_logical3A_283 = arith.shrui %get3A_280, %shift_right_logical3A_282 : vector<16xi32>
    %swap3A_284 = arith.constant 3 : i32
    %swap3A_285 = arith.index_cast %swap3A_284 : i32 to index
    %swap3A_286 = arith.constant 16 : index
    %swap3A_287 = tpu.vector_load %arg6[%swap3A_285, %swap3A_286] {strides = array<i32>} : memref<4x128xi32, #tpu.memory_space<vmem>>, vector<16xi32>,
    tpu.vector_store %arg6[%swap3A_285, %swap3A_286], %shift_right_logical3A_283 {strides = array<i32>} : memref<4x128xi32, #tpu.memory_space<vmem>>, vector<16xi32>,
    %get3A_288 = arith.constant 3 : i32
    %get3A_289 = arith.index_cast %get3A_288 : i32 to index
    %get3A_290 = arith.constant 32 : index
    %get3A_291 = tpu.vector_load %arg5[%get3A_289, %get3A_290] {strides = array<i32>} : memref<4x128xi32, #tpu.memory_space<vmem>>, vector<16xi32>,
    %shift_right_logical3A_292 = arith.constant 7 : i32
    %shift_right_logical3A_293 = vector.broadcast %shift_right_logical3A_292 : i32 to vector<16xi32>
    %shift_right_logical3A_294 = arith.shrui %get3A_291, %shift_right_logical3A_293 : vector<16xi32>
    %swap3A_295 = arith.constant 3 : i32
    %swap3A_296 = arith.index_cast %swap3A_295 : i32 to index
    %swap3A_297 = arith.constant 32 : index
    %swap3A_298 = tpu.vector_load %arg6[%swap3A_296, %swap3A_297] {strides = array<i32>} : memref<4x128xi32, #tpu.memory_space<vmem>>, vector<16xi32>,
    tpu.vector_store %arg6[%swap3A_296, %swap3A_297], %shift_right_logical3A_294 {strides = array<i32>} : memref<4x128xi32, #tpu.memory_space<vmem>>, vector<16xi32>,
    %get3A_299 = arith.constant 3 : i32
    %get3A_300 = arith.index_cast %get3A_299 : i32 to index
    %get3A_301 = arith.constant 48 : index
    %get3A_302 = tpu.vector_load %arg5[%get3A_300, %get3A_301] {strides = array<i32>} : memref<4x128xi32, #tpu.memory_space<vmem>>, vector<16xi32>,
    %shift_right_logical3A_303 = arith.constant 7 : i32
    %shift_right_logical3A_304 = vector.broadcast %shift_right_logical3A_303 : i32 to vector<16xi32>
    %shift_right_logical3A_305 = arith.shrui %get3A_302, %shift_right_logical3A_304 : vector<16xi32>
    %swap3A_306 = arith.constant 3 : i32
    %swap3A_307 = arith.index_cast %swap3A_306 : i32 to index
    %swap3A_308 = arith.constant 48 : index
    %swap3A_309 = tpu.vector_load %arg6[%swap3A_307, %swap3A_308] {strides = array<i32>} : memref<4x128xi32, #tpu.memory_space<vmem>>, vector<16xi32>,
    tpu.vector_store %arg6[%swap3A_307, %swap3A_308], %shift_right_logical3A_305 {strides = array<i32>} : memref<4x128xi32, #tpu.memory_space<vmem>>, vector<16xi32>,
    %get3A_310 = arith.constant 3 : i32
    %get3A_311 = arith.index_cast %get3A_310 : i32 to index
    %get3A_312 = arith.constant 64 : index
    %get3A_313 = tpu.vector_load %arg5[%get3A_311, %get3A_312] {strides = array<i32>} : memref<4x128xi32, #tpu.memory_space<vmem>>, vector<16xi32>,
    %shift_right_logical3A_314 = arith.constant 7 : i32
    %shift_right_logical3A_315 = vector.broadcast %shift_right_logical3A_314 : i32 to vector<16xi32>
    %shift_right_logical3A_316 = arith.shrui %get3A_313, %shift_right_logical3A_315 : vector<16xi32>
    %swap3A_317 = arith.constant 3 : i32
    %swap3A_318 = arith.index_cast %swap3A_317 : i32 to index
    %swap3A_319 = arith.constant 64 : index
    %swap3A_320 = tpu.vector_load %arg6[%swap3A_318, %swap3A_319] {strides = array<i32>} : memref<4x128xi32, #tpu.memory_space<vmem>>, vector<16xi32>,
    tpu.vector_store %arg6[%swap3A_318, %swap3A_319], %shift_right_logical3A_316 {strides = array<i32>} : memref<4x128xi32, #tpu.memory_space<vmem>>, vector<16xi32>,
    %get3A_321 = arith.constant 3 : i32
    %get3A_322 = arith.index_cast %get3A_321 : i32 to index
    %get3A_323 = arith.constant 80 : index
    %get3A_324 = tpu.vector_load %arg5[%get3A_322, %get3A_323] {strides = array<i32>} : memref<4x128xi32, #tpu.memory_space<vmem>>, vector<16xi32>,
    %shift_right_logical3A_325 = arith.constant 7 : i32
    %shift_right_logical3A_326 = vector.broadcast %shift_right_logical3A_325 : i32 to vector<16xi32>
    %shift_right_logical3A_327 = arith.shrui %get3A_324, %shift_right_logical3A_326 : vector<16xi32>
    %swap3A_328 = arith.constant 3 : i32
    %swap3A_329 = arith.index_cast %swap3A_328 : i32 to index
    %swap3A_330 = arith.constant 80 : index
    %swap3A_331 = tpu.vector_load %arg6[%swap3A_329, %swap3A_330] {strides = array<i32>} : memref<4x128xi32, #tpu.memory_space<vmem>>, vector<16xi32>,
    tpu.vector_store %arg6[%swap3A_329, %swap3A_330], %shift_right_logical3A_327 {strides = array<i32>} : memref<4x128xi32, #tpu.memory_space<vmem>>, vector<16xi32>,
    %get3A_332 = arith.constant 3 : i32
    %get3A_333 = arith.index_cast %get3A_332 : i32 to index
    %get3A_334 = arith.constant 96 : index
    %get3A_335 = tpu.vector_load %arg5[%get3A_333, %get3A_334] {strides = array<i32>} : memref<4x128xi32, #tpu.memory_space<vmem>>, vector<16xi32>,
    %shift_right_logical3A_336 = arith.constant 7 : i32
    %shift_right_logical3A_337 = vector.broadcast %shift_right_logical3A_336 : i32 to vector<16xi32>
    %shift_right_logical3A_338 = arith.shrui %get3A_335, %shift_right_logical3A_337 : vector<16xi32>
    %swap3A_339 = arith.constant 3 : i32
    %swap3A_340 = arith.index_cast %swap3A_339 : i32 to index
    %swap3A_341 = arith.constant 96 : index
    %swap3A_342 = tpu.vector_load %arg6[%swap3A_340, %swap3A_341] {strides = array<i32>} : memref<4x128xi32, #tpu.memory_space<vmem>>, vector<16xi32>,
    tpu.vector_store %arg6[%swap3A_340, %swap3A_341], %shift_right_logical3A_338 {strides = array<i32>} : memref<4x128xi32, #tpu.memory_space<vmem>>, vector<16xi32>,
    %get3A_343 = arith.constant 3 : i32
    %get3A_344 = arith.index_cast %get3A_343 : i32 to index
    %get3A_345 = arith.constant 112 : index
    %get3A_346 = tpu.vector_load %arg5[%get3A_344, %get3A_345] {strides = array<i32>} : memref<4x128xi32, #tpu.memory_space<vmem>>, vector<16xi32>,
    %shift_right_logical3A_347 = arith.constant 7 : i32
    %shift_right_logical3A_348 = vector.broadcast %shift_right_logical3A_347 : i32 to vector<16xi32>
    %shift_right_logical3A_349 = arith.shrui %get3A_346, %shift_right_logical3A_348 : vector<16xi32>
    %swap3A_350 = arith.constant 3 : i32
    %swap3A_351 = arith.index_cast %swap3A_350 : i32 to index
    %swap3A_352 = arith.constant 112 : index
    %swap3A_353 = tpu.vector_load %arg6[%swap3A_351, %swap3A_352] {strides = array<i32>} : memref<4x128xi32, #tpu.memory_space<vmem>>, vector<16xi32>,
    tpu.vector_store %arg6[%swap3A_351, %swap3A_352], %shift_right_logical3A_349 {strides = array<i32>} : memref<4x128xi32, #tpu.memory_space<vmem>>, vector<16xi32>,
    %dma_start3A = arith.constant 0 : i32
    %dma_start3A_354 = arith.constant 0 : i32
    %dma_start3A_355 = arith.constant 0 : i32
    %dma_start3A_356 = tpu.memref_slice %arg7[%dma_start3A_354, %dma_start3A_355] : memref<512x128xi32, #tpu.memory_space<vmem>> -> memref<128x128xi32, #tpu.memory_space<vmem>>
    %dma_start3A_357 = arith.constant 0 : i32
    %dma_start3A_358 = tpu.memref_slice %arg6[%dma_start3A, %dma_start3A_357] : memref<4x128xi32, #tpu.memory_space<vmem>> -> memref<1x128xi32, #tpu.memory_space<vmem>>
    %dma_start3A_359 = tpu.memref_squeeze %dma_start3A_358 : memref<1x128xi32, #tpu.memory_space<vmem>> -> memref<128xi32, #tpu.memory_space<vmem>>
    %dma_start3A_360 = arith.constant 0 : i32
    %dma_start3A_361 = arith.constant 0 : i32
    %dma_start3A_362 = tpu.memref_slice %arg3[%dma_start3A_360, %dma_start3A_361] : memref<782x128xi32, #tpu.memory_space<hbm>> -> memref<782x128xi32, #tpu.memory_space<hbm>>
    tpu.enqueue_indirect_dma source(%dma_start3A_362 : memref<782x128xi32, #tpu.memory_space<hbm>>) target(%dma_start3A_356 : memref<128x128xi32, #tpu.memory_space<vmem>>) offsets(%dma_start3A_359 : memref<128xi32, #tpu.memory_space<vmem>>) semaphore(%arg9 : memref<!tpu.dma_semaphore, #tpu.memory_space<semaphore_mem>>)
    %dma_start3A_363 = arith.constant 1 : i32
    %dma_start3A_364 = arith.constant 128 : i32
    %dma_start3A_365 = arith.constant 0 : i32
    %dma_start3A_366 = tpu.memref_slice %arg7[%dma_start3A_364, %dma_start3A_365] : memref<512x128xi32, #tpu.memory_space<vmem>> -> memref<128x128xi32, #tpu.memory_space<vmem>>
    %dma_start3A_367 = arith.constant 0 : i32
    %dma_start3A_368 = tpu.memref_slice %arg6[%dma_start3A_363, %dma_start3A_367] : memref<4x128xi32, #tpu.memory_space<vmem>> -> memref<1x128xi32, #tpu.memory_space<vmem>>
    %dma_start3A_369 = tpu.memref_squeeze %dma_start3A_368 : memref<1x128xi32, #tpu.memory_space<vmem>> -> memref<128xi32, #tpu.memory_space<vmem>>
    %dma_start3A_370 = arith.constant 0 : i32
    %dma_start3A_371 = arith.constant 0 : i32
    %dma_start3A_372 = tpu.memref_slice %arg3[%dma_start3A_370, %dma_start3A_371] : memref<782x128xi32, #tpu.memory_space<hbm>> -> memref<782x128xi32, #tpu.memory_space<hbm>>
    tpu.enqueue_indirect_dma source(%dma_start3A_372 : memref<782x128xi32, #tpu.memory_space<hbm>>) target(%dma_start3A_366 : memref<128x128xi32, #tpu.memory_space<vmem>>) offsets(%dma_start3A_369 : memref<128xi32, #tpu.memory_space<vmem>>) semaphore(%arg9 : memref<!tpu.dma_semaphore, #tpu.memory_space<semaphore_mem>>)
    %dma_start3A_373 = arith.constant 2 : i32
    %dma_start3A_374 = arith.constant 256 : i32
    %dma_start3A_375 = arith.constant 0 : i32
    %dma_start3A_376 = tpu.memref_slice %arg7[%dma_start3A_374, %dma_start3A_375] : memref<512x128xi32, #tpu.memory_space<vmem>> -> memref<128x128xi32, #tpu.memory_space<vmem>>
    %dma_start3A_377 = arith.constant 0 : i32
    %dma_start3A_378 = tpu.memref_slice %arg6[%dma_start3A_373, %dma_start3A_377] : memref<4x128xi32, #tpu.memory_space<vmem>> -> memref<1x128xi32, #tpu.memory_space<vmem>>
    %dma_start3A_379 = tpu.memref_squeeze %dma_start3A_378 : memref<1x128xi32, #tpu.memory_space<vmem>> -> memref<128xi32, #tpu.memory_space<vmem>>
    %dma_start3A_380 = arith.constant 0 : i32
    %dma_start3A_381 = arith.constant 0 : i32
    %dma_start3A_382 = tpu.memref_slice %arg3[%dma_start3A_380, %dma_start3A_381] : memref<782x128xi32, #tpu.memory_space<hbm>> -> memref<782x128xi32, #tpu.memory_space<hbm>>
    tpu.enqueue_indirect_dma source(%dma_start3A_382 : memref<782x128xi32, #tpu.memory_space<hbm>>) target(%dma_start3A_376 : memref<128x128xi32, #tpu.memory_space<vmem>>) offsets(%dma_start3A_379 : memref<128xi32, #tpu.memory_space<vmem>>) semaphore(%arg9 : memref<!tpu.dma_semaphore, #tpu.memory_space<semaphore_mem>>)
    %dma_start3A_383 = arith.constant 3 : i32
    %dma_start3A_384 = arith.constant 384 : i32
    %dma_start3A_385 = arith.constant 0 : i32
    %dma_start3A_386 = tpu.memref_slice %arg7[%dma_start3A_384, %dma_start3A_385] : memref<512x128xi32, #tpu.memory_space<vmem>> -> memref<128x128xi32, #tpu.memory_space<vmem>>
    %dma_start3A_387 = arith.constant 0 : i32
    %dma_start3A_388 = tpu.memref_slice %arg6[%dma_start3A_383, %dma_start3A_387] : memref<4x128xi32, #tpu.memory_space<vmem>> -> memref<1x128xi32, #tpu.memory_space<vmem>>
    %dma_start3A_389 = tpu.memref_squeeze %dma_start3A_388 : memref<1x128xi32, #tpu.memory_space<vmem>> -> memref<128xi32, #tpu.memory_space<vmem>>
    %dma_start3A_390 = arith.constant 0 : i32
    %dma_start3A_391 = arith.constant 0 : i32
    %dma_start3A_392 = tpu.memref_slice %arg3[%dma_start3A_390, %dma_start3A_391] : memref<782x128xi32, #tpu.memory_space<hbm>> -> memref<782x128xi32, #tpu.memory_space<hbm>>
    tpu.enqueue_indirect_dma source(%dma_start3A_392 : memref<782x128xi32, #tpu.memory_space<hbm>>) target(%dma_start3A_386 : memref<128x128xi32, #tpu.memory_space<vmem>>) offsets(%dma_start3A_389 : memref<128xi32, #tpu.memory_space<vmem>>) semaphore(%arg9 : memref<!tpu.dma_semaphore, #tpu.memory_space<semaphore_mem>>)
    %dma_wait3A = arith.constant 0 : i32
    %dma_wait3A_393 = arith.constant 0 : i32
    %dma_wait3A_394 = arith.constant 0 : i32
    %dma_wait3A_395 = tpu.memref_slice %arg7[%dma_wait3A_393, %dma_wait3A_394] : memref<512x128xi32, #tpu.memory_space<vmem>> -> memref<128x128xi32, #tpu.memory_space<vmem>>
    %dma_wait3A_396 = arith.constant 0 : i32
    %dma_wait3A_397 = tpu.memref_slice %arg6[%dma_wait3A, %dma_wait3A_396] : memref<4x128xi32, #tpu.memory_space<vmem>> -> memref<1x128xi32, #tpu.memory_space<vmem>>
    %dma_wait3A_398 = tpu.memref_squeeze %dma_wait3A_397 : memref<1x128xi32, #tpu.memory_space<vmem>> -> memref<128xi32, #tpu.memory_space<vmem>>
    %dma_wait3A_399 = arith.constant 0 : i32
    %dma_wait3A_400 = arith.constant 0 : i32
    %dma_wait3A_401 = tpu.memref_slice %arg3[%dma_wait3A_399, %dma_wait3A_400] : memref<782x128xi32, #tpu.memory_space<hbm>> -> memref<782x128xi32, #tpu.memory_space<hbm>>
    tpu.wait_indirect_dma semaphore(%arg9 : memref<!tpu.dma_semaphore, #tpu.memory_space<semaphore_mem>>) src(%dma_wait3A_401 : memref<782x128xi32, #tpu.memory_space<hbm>>) dst(%dma_wait3A_395 : memref<128x128xi32, #tpu.memory_space<vmem>>)
    %dma_wait3A_402 = arith.constant 1 : i32
    %dma_wait3A_403 = arith.constant 128 : i32
    %dma_wait3A_404 = arith.constant 0 : i32
    %dma_wait3A_405 = tpu.memref_slice %arg7[%dma_wait3A_403, %dma_wait3A_404] : memref<512x128xi32, #tpu.memory_space<vmem>> -> memref<128x128xi32, #tpu.memory_space<vmem>>
    %dma_wait3A_406 = arith.constant 0 : i32
    %dma_wait3A_407 = tpu.memref_slice %arg6[%dma_wait3A_402, %dma_wait3A_406] : memref<4x128xi32, #tpu.memory_space<vmem>> -> memref<1x128xi32, #tpu.memory_space<vmem>>
    %dma_wait3A_408 = tpu.memref_squeeze %dma_wait3A_407 : memref<1x128xi32, #tpu.memory_space<vmem>> -> memref<128xi32, #tpu.memory_space<vmem>>
    %dma_wait3A_409 = arith.constant 0 : i32
    %dma_wait3A_410 = arith.constant 0 : i32
    %dma_wait3A_411 = tpu.memref_slice %arg3[%dma_wait3A_409, %dma_wait3A_410] : memref<782x128xi32, #tpu.memory_space<hbm>> -> memref<782x128xi32, #tpu.memory_space<hbm>>
    tpu.wait_indirect_dma semaphore(%arg9 : memref<!tpu.dma_semaphore, #tpu.memory_space<semaphore_mem>>) src(%dma_wait3A_411 : memref<782x128xi32, #tpu.memory_space<hbm>>) dst(%dma_wait3A_405 : memref<128x128xi32, #tpu.memory_space<vmem>>)
    %dma_wait3A_412 = arith.constant 2 : i32
    %dma_wait3A_413 = arith.constant 256 : i32
    %dma_wait3A_414 = arith.constant 0 : i32
    %dma_wait3A_415 = tpu.memref_slice %arg7[%dma_wait3A_413, %dma_wait3A_414] : memref<512x128xi32, #tpu.memory_space<vmem>> -> memref<128x128xi32, #tpu.memory_space<vmem>>
    %dma_wait3A_416 = arith.constant 0 : i32
    %dma_wait3A_417 = tpu.memref_slice %arg6[%dma_wait3A_412, %dma_wait3A_416] : memref<4x128xi32, #tpu.memory_space<vmem>> -> memref<1x128xi32, #tpu.memory_space<vmem>>
    %dma_wait3A_418 = tpu.memref_squeeze %dma_wait3A_417 : memref<1x128xi32, #tpu.memory_space<vmem>> -> memref<128xi32, #tpu.memory_space<vmem>>
    %dma_wait3A_419 = arith.constant 0 : i32
    %dma_wait3A_420 = arith.constant 0 : i32
    %dma_wait3A_421 = tpu.memref_slice %arg3[%dma_wait3A_419, %dma_wait3A_420] : memref<782x128xi32, #tpu.memory_space<hbm>> -> memref<782x128xi32, #tpu.memory_space<hbm>>
    tpu.wait_indirect_dma semaphore(%arg9 : memref<!tpu.dma_semaphore, #tpu.memory_space<semaphore_mem>>) src(%dma_wait3A_421 : memref<782x128xi32, #tpu.memory_space<hbm>>) dst(%dma_wait3A_415 : memref<128x128xi32, #tpu.memory_space<vmem>>)
    %dma_wait3A_422 = arith.constant 3 : i32
    %dma_wait3A_423 = arith.constant 384 : i32
    %dma_wait3A_424 = arith.constant 0 : i32
    %dma_wait3A_425 = tpu.memref_slice %arg7[%dma_wait3A_423, %dma_wait3A_424] : memref<512x128xi32, #tpu.memory_space<vmem>> -> memref<128x128xi32, #tpu.memory_space<vmem>>
    %dma_wait3A_426 = arith.constant 0 : i32
    %dma_wait3A_427 = tpu.memref_slice %arg6[%dma_wait3A_422, %dma_wait3A_426] : memref<4x128xi32, #tpu.memory_space<vmem>> -> memref<1x128xi32, #tpu.memory_space<vmem>>
    %dma_wait3A_428 = tpu.memref_squeeze %dma_wait3A_427 : memref<1x128xi32, #tpu.memory_space<vmem>> -> memref<128xi32, #tpu.memory_space<vmem>>
    %dma_wait3A_429 = arith.constant 0 : i32
    %dma_wait3A_430 = arith.constant 0 : i32
    %dma_wait3A_431 = tpu.memref_slice %arg3[%dma_wait3A_429, %dma_wait3A_430] : memref<782x128xi32, #tpu.memory_space<hbm>> -> memref<782x128xi32, #tpu.memory_space<hbm>>
    tpu.wait_indirect_dma semaphore(%arg9 : memref<!tpu.dma_semaphore, #tpu.memory_space<semaphore_mem>>) src(%dma_wait3A_431 : memref<782x128xi32, #tpu.memory_space<hbm>>) dst(%dma_wait3A_425 : memref<128x128xi32, #tpu.memory_space<vmem>>)
    %iota3A = tpu.iota {dimensions = array<i32: 0>} : vector<16xi32>
    %broadcast_in_dim3A = arith.constant 0 : i32
    %broadcast_in_dim3A_432 = vector.broadcast %broadcast_in_dim3A : i32 to vector<16xi32>
    %get3A_433 = arith.constant 0 : i32
    %get3A_434 = arith.index_cast %get3A_433 : i32 to index
    %get3A_435 = arith.constant 0 : index
    %get3A_436 = tpu.vector_load %arg5[%get3A_434, %get3A_435] {strides = array<i32>} : memref<4x128xi32, #tpu.memory_space<vmem>>, vector<16xi32>,
    %and3A = arith.constant 127 : i32
    %and3A_437 = vector.broadcast %and3A : i32 to vector<16xi32>
    %and3A_438 = arith.andi %get3A_436, %and3A_437 : vector<16xi32>
    %add3A_439 = arith.constant 0 : i32
    %add3A_440 = vector.broadcast %add3A_439 : i32 to vector<16xi32>
    %add3A_441 = arith.addi %iota3A, %add3A_440 : vector<16xi32>
    %gather3A = tpu.vector_load_idx %arg7[%add3A_441, %and3A_438] : memref<512x128xi32, #tpu.memory_space<vmem>>[vector<16xi32>, vector<16xi32>], vector<16xi32>,
    %bitcast3A = vector.bitcast %gather3A : vector<16xi32> to vector<16xf32>
    tpu.vector_store_idx %arg8[%add3A_441, %broadcast_in_dim3A_432], %bitcast3A : memref<512x4xf32, #tpu.memory_space<vmem>>[vector<16xi32>, vector<16xi32>], vector<16xf32>,
    %get3A_442 = arith.constant 0 : i32
    %get3A_443 = arith.index_cast %get3A_442 : i32 to index
    %get3A_444 = arith.constant 16 : index
    %get3A_445 = tpu.vector_load %arg5[%get3A_443, %get3A_444] {strides = array<i32>} : memref<4x128xi32, #tpu.memory_space<vmem>>, vector<16xi32>,
    %and3A_446 = arith.constant 127 : i32
    %and3A_447 = vector.broadcast %and3A_446 : i32 to vector<16xi32>
    %and3A_448 = arith.andi %get3A_445, %and3A_447 : vector<16xi32>
    %add3A_449 = arith.constant 16 : i32
    %add3A_450 = vector.broadcast %add3A_449 : i32 to vector<16xi32>
    %add3A_451 = arith.addi %iota3A, %add3A_450 : vector<16xi32>
    %gather3A_452 = tpu.vector_load_idx %arg7[%add3A_451, %and3A_448] : memref<512x128xi32, #tpu.memory_space<vmem>>[vector<16xi32>, vector<16xi32>], vector<16xi32>,
    %bitcast3A_453 = vector.bitcast %gather3A_452 : vector<16xi32> to vector<16xf32>
    tpu.vector_store_idx %arg8[%add3A_451, %broadcast_in_dim3A_432], %bitcast3A_453 : memref<512x4xf32, #tpu.memory_space<vmem>>[vector<16xi32>, vector<16xi32>], vector<16xf32>,
    %get3A_454 = arith.constant 0 : i32
    %get3A_455 = arith.index_cast %get3A_454 : i32 to index
    %get3A_456 = arith.constant 32 : index
    %get3A_457 = tpu.vector_load %arg5[%get3A_455, %get3A_456] {strides = array<i32>} : memref<4x128xi32, #tpu.memory_space<vmem>>, vector<16xi32>,
    %and3A_458 = arith.constant 127 : i32
    %and3A_459 = vector.broadcast %and3A_458 : i32 to vector<16xi32>
    %and3A_460 = arith.andi %get3A_457, %and3A_459 : vector<16xi32>
    %add3A_461 = arith.constant 32 : i32
    %add3A_462 = vector.broadcast %add3A_461 : i32 to vector<16xi32>
    %add3A_463 = arith.addi %iota3A, %add3A_462 : vector<16xi32>
    %gather3A_464 = tpu.vector_load_idx %arg7[%add3A_463, %and3A_460] : memref<512x128xi32, #tpu.memory_space<vmem>>[vector<16xi32>, vector<16xi32>], vector<16xi32>,
    %bitcast3A_465 = vector.bitcast %gather3A_464 : vector<16xi32> to vector<16xf32>
    tpu.vector_store_idx %arg8[%add3A_463, %broadcast_in_dim3A_432], %bitcast3A_465 : memref<512x4xf32, #tpu.memory_space<vmem>>[vector<16xi32>, vector<16xi32>], vector<16xf32>,
    %get3A_466 = arith.constant 0 : i32
    %get3A_467 = arith.index_cast %get3A_466 : i32 to index
    %get3A_468 = arith.constant 48 : index
    %get3A_469 = tpu.vector_load %arg5[%get3A_467, %get3A_468] {strides = array<i32>} : memref<4x128xi32, #tpu.memory_space<vmem>>, vector<16xi32>,
    %and3A_470 = arith.constant 127 : i32
    %and3A_471 = vector.broadcast %and3A_470 : i32 to vector<16xi32>
    %and3A_472 = arith.andi %get3A_469, %and3A_471 : vector<16xi32>
    %add3A_473 = arith.constant 48 : i32
    %add3A_474 = vector.broadcast %add3A_473 : i32 to vector<16xi32>
    %add3A_475 = arith.addi %iota3A, %add3A_474 : vector<16xi32>
    %gather3A_476 = tpu.vector_load_idx %arg7[%add3A_475, %and3A_472] : memref<512x128xi32, #tpu.memory_space<vmem>>[vector<16xi32>, vector<16xi32>], vector<16xi32>,
    %bitcast3A_477 = vector.bitcast %gather3A_476 : vector<16xi32> to vector<16xf32>
    tpu.vector_store_idx %arg8[%add3A_475, %broadcast_in_dim3A_432], %bitcast3A_477 : memref<512x4xf32, #tpu.memory_space<vmem>>[vector<16xi32>, vector<16xi32>], vector<16xf32>,
    %get3A_478 = arith.constant 0 : i32
    %get3A_479 = arith.index_cast %get3A_478 : i32 to index
    %get3A_480 = arith.constant 64 : index
    %get3A_481 = tpu.vector_load %arg5[%get3A_479, %get3A_480] {strides = array<i32>} : memref<4x128xi32, #tpu.memory_space<vmem>>, vector<16xi32>,
    %and3A_482 = arith.constant 127 : i32
    %and3A_483 = vector.broadcast %and3A_482 : i32 to vector<16xi32>
    %and3A_484 = arith.andi %get3A_481, %and3A_483 : vector<16xi32>
    %add3A_485 = arith.constant 64 : i32
    %add3A_486 = vector.broadcast %add3A_485 : i32 to vector<16xi32>
    %add3A_487 = arith.addi %iota3A, %add3A_486 : vector<16xi32>
    %gather3A_488 = tpu.vector_load_idx %arg7[%add3A_487, %and3A_484] : memref<512x128xi32, #tpu.memory_space<vmem>>[vector<16xi32>, vector<16xi32>], vector<16xi32>,
    %bitcast3A_489 = vector.bitcast %gather3A_488 : vector<16xi32> to vector<16xf32>
    tpu.vector_store_idx %arg8[%add3A_487, %broadcast_in_dim3A_432], %bitcast3A_489 : memref<512x4xf32, #tpu.memory_space<vmem>>[vector<16xi32>, vector<16xi32>], vector<16xf32>,
    %get3A_490 = arith.constant 0 : i32
    %get3A_491 = arith.index_cast %get3A_490 : i32 to index
    %get3A_492 = arith.constant 80 : index
    %get3A_493 = tpu.vector_load %arg5[%get3A_491, %get3A_492] {strides = array<i32>} : memref<4x128xi32, #tpu.memory_space<vmem>>, vector<16xi32>,
    %and3A_494 = arith.constant 127 : i32
    %and3A_495 = vector.broadcast %and3A_494 : i32 to vector<16xi32>
    %and3A_496 = arith.andi %get3A_493, %and3A_495 : vector<16xi32>
    %add3A_497 = arith.constant 80 : i32
    %add3A_498 = vector.broadcast %add3A_497 : i32 to vector<16xi32>
    %add3A_499 = arith.addi %iota3A, %add3A_498 : vector<16xi32>
    %gather3A_500 = tpu.vector_load_idx %arg7[%add3A_499, %and3A_496] : memref<512x128xi32, #tpu.memory_space<vmem>>[vector<16xi32>, vector<16xi32>], vector<16xi32>,
    %bitcast3A_501 = vector.bitcast %gather3A_500 : vector<16xi32> to vector<16xf32>
    tpu.vector_store_idx %arg8[%add3A_499, %broadcast_in_dim3A_432], %bitcast3A_501 : memref<512x4xf32, #tpu.memory_space<vmem>>[vector<16xi32>, vector<16xi32>], vector<16xf32>,
    %get3A_502 = arith.constant 0 : i32
    %get3A_503 = arith.index_cast %get3A_502 : i32 to index
    %get3A_504 = arith.constant 96 : index
    %get3A_505 = tpu.vector_load %arg5[%get3A_503, %get3A_504] {strides = array<i32>} : memref<4x128xi32, #tpu.memory_space<vmem>>, vector<16xi32>,
    %and3A_506 = arith.constant 127 : i32
    %and3A_507 = vector.broadcast %and3A_506 : i32 to vector<16xi32>
    %and3A_508 = arith.andi %get3A_505, %and3A_507 : vector<16xi32>
    %add3A_509 = arith.constant 96 : i32
    %add3A_510 = vector.broadcast %add3A_509 : i32 to vector<16xi32>
    %add3A_511 = arith.addi %iota3A, %add3A_510 : vector<16xi32>
    %gather3A_512 = tpu.vector_load_idx %arg7[%add3A_511, %and3A_508] : memref<512x128xi32, #tpu.memory_space<vmem>>[vector<16xi32>, vector<16xi32>], vector<16xi32>,
    %bitcast3A_513 = vector.bitcast %gather3A_512 : vector<16xi32> to vector<16xf32>
    tpu.vector_store_idx %arg8[%add3A_511, %broadcast_in_dim3A_432], %bitcast3A_513 : memref<512x4xf32, #tpu.memory_space<vmem>>[vector<16xi32>, vector<16xi32>], vector<16xf32>,
    %get3A_514 = arith.constant 0 : i32
    %get3A_515 = arith.index_cast %get3A_514 : i32 to index
    %get3A_516 = arith.constant 112 : index
    %get3A_517 = tpu.vector_load %arg5[%get3A_515, %get3A_516] {strides = array<i32>} : memref<4x128xi32, #tpu.memory_space<vmem>>, vector<16xi32>,
    %and3A_518 = arith.constant 127 : i32
    %and3A_519 = vector.broadcast %and3A_518 : i32 to vector<16xi32>
    %and3A_520 = arith.andi %get3A_517, %and3A_519 : vector<16xi32>
    %add3A_521 = arith.constant 112 : i32
    %add3A_522 = vector.broadcast %add3A_521 : i32 to vector<16xi32>
    %add3A_523 = arith.addi %iota3A, %add3A_522 : vector<16xi32>
    %gather3A_524 = tpu.vector_load_idx %arg7[%add3A_523, %and3A_520] : memref<512x128xi32, #tpu.memory_space<vmem>>[vector<16xi32>, vector<16xi32>], vector<16xi32>,
    %bitcast3A_525 = vector.bitcast %gather3A_524 : vector<16xi32> to vector<16xf32>
    tpu.vector_store_idx %arg8[%add3A_523, %broadcast_in_dim3A_432], %bitcast3A_525 : memref<512x4xf32, #tpu.memory_space<vmem>>[vector<16xi32>, vector<16xi32>], vector<16xf32>,
    %get3A_526 = arith.constant 1 : i32
    %get3A_527 = arith.index_cast %get3A_526 : i32 to index
    %get3A_528 = arith.constant 0 : index
    %get3A_529 = tpu.vector_load %arg5[%get3A_527, %get3A_528] {strides = array<i32>} : memref<4x128xi32, #tpu.memory_space<vmem>>, vector<16xi32>,
    %and3A_530 = arith.constant 127 : i32
    %and3A_531 = vector.broadcast %and3A_530 : i32 to vector<16xi32>
    %and3A_532 = arith.andi %get3A_529, %and3A_531 : vector<16xi32>
    %add3A_533 = arith.constant 128 : i32
    %add3A_534 = vector.broadcast %add3A_533 : i32 to vector<16xi32>
    %add3A_535 = arith.addi %iota3A, %add3A_534 : vector<16xi32>
    %gather3A_536 = tpu.vector_load_idx %arg7[%add3A_535, %and3A_532] : memref<512x128xi32, #tpu.memory_space<vmem>>[vector<16xi32>, vector<16xi32>], vector<16xi32>,
    %bitcast3A_537 = vector.bitcast %gather3A_536 : vector<16xi32> to vector<16xf32>
    tpu.vector_store_idx %arg8[%add3A_535, %broadcast_in_dim3A_432], %bitcast3A_537 : memref<512x4xf32, #tpu.memory_space<vmem>>[vector<16xi32>, vector<16xi32>], vector<16xf32>,
    %get3A_538 = arith.constant 1 : i32
    %get3A_539 = arith.index_cast %get3A_538 : i32 to index
    %get3A_540 = arith.constant 16 : index
    %get3A_541 = tpu.vector_load %arg5[%get3A_539, %get3A_540] {strides = array<i32>} : memref<4x128xi32, #tpu.memory_space<vmem>>, vector<16xi32>,
    %and3A_542 = arith.constant 127 : i32
    %and3A_543 = vector.broadcast %and3A_542 : i32 to vector<16xi32>
    %and3A_544 = arith.andi %get3A_541, %and3A_543 : vector<16xi32>
    %add3A_545 = arith.constant 144 : i32
    %add3A_546 = vector.broadcast %add3A_545 : i32 to vector<16xi32>
    %add3A_547 = arith.addi %iota3A, %add3A_546 : vector<16xi32>
    %gather3A_548 = tpu.vector_load_idx %arg7[%add3A_547, %and3A_544] : memref<512x128xi32, #tpu.memory_space<vmem>>[vector<16xi32>, vector<16xi32>], vector<16xi32>,
    %bitcast3A_549 = vector.bitcast %gather3A_548 : vector<16xi32> to vector<16xf32>
    tpu.vector_store_idx %arg8[%add3A_547, %broadcast_in_dim3A_432], %bitcast3A_549 : memref<512x4xf32, #tpu.memory_space<vmem>>[vector<16xi32>, vector<16xi32>], vector<16xf32>,
    %get3A_550 = arith.constant 1 : i32
    %get3A_551 = arith.index_cast %get3A_550 : i32 to index
    %get3A_552 = arith.constant 32 : index
    %get3A_553 = tpu.vector_load %arg5[%get3A_551, %get3A_552] {strides = array<i32>} : memref<4x128xi32, #tpu.memory_space<vmem>>, vector<16xi32>,
    %and3A_554 = arith.constant 127 : i32
    %and3A_555 = vector.broadcast %and3A_554 : i32 to vector<16xi32>
    %and3A_556 = arith.andi %get3A_553, %and3A_555 : vector<16xi32>
    %add3A_557 = arith.constant 160 : i32
    %add3A_558 = vector.broadcast %add3A_557 : i32 to vector<16xi32>
    %add3A_559 = arith.addi %iota3A, %add3A_558 : vector<16xi32>
    %gather3A_560 = tpu.vector_load_idx %arg7[%add3A_559, %and3A_556] : memref<512x128xi32, #tpu.memory_space<vmem>>[vector<16xi32>, vector<16xi32>], vector<16xi32>,
    %bitcast3A_561 = vector.bitcast %gather3A_560 : vector<16xi32> to vector<16xf32>
    tpu.vector_store_idx %arg8[%add3A_559, %broadcast_in_dim3A_432], %bitcast3A_561 : memref<512x4xf32, #tpu.memory_space<vmem>>[vector<16xi32>, vector<16xi32>], vector<16xf32>,
    %get3A_562 = arith.constant 1 : i32
    %get3A_563 = arith.index_cast %get3A_562 : i32 to index
    %get3A_564 = arith.constant 48 : index
    %get3A_565 = tpu.vector_load %arg5[%get3A_563, %get3A_564] {strides = array<i32>} : memref<4x128xi32, #tpu.memory_space<vmem>>, vector<16xi32>,
    %and3A_566 = arith.constant 127 : i32
    %and3A_567 = vector.broadcast %and3A_566 : i32 to vector<16xi32>
    %and3A_568 = arith.andi %get3A_565, %and3A_567 : vector<16xi32>
    %add3A_569 = arith.constant 176 : i32
    %add3A_570 = vector.broadcast %add3A_569 : i32 to vector<16xi32>
    %add3A_571 = arith.addi %iota3A, %add3A_570 : vector<16xi32>
    %gather3A_572 = tpu.vector_load_idx %arg7[%add3A_571, %and3A_568] : memref<512x128xi32, #tpu.memory_space<vmem>>[vector<16xi32>, vector<16xi32>], vector<16xi32>,
    %bitcast3A_573 = vector.bitcast %gather3A_572 : vector<16xi32> to vector<16xf32>
    tpu.vector_store_idx %arg8[%add3A_571, %broadcast_in_dim3A_432], %bitcast3A_573 : memref<512x4xf32, #tpu.memory_space<vmem>>[vector<16xi32>, vector<16xi32>], vector<16xf32>,
    %get3A_574 = arith.constant 1 : i32
    %get3A_575 = arith.index_cast %get3A_574 : i32 to index
    %get3A_576 = arith.constant 64 : index
    %get3A_577 = tpu.vector_load %arg5[%get3A_575, %get3A_576] {strides = array<i32>} : memref<4x128xi32, #tpu.memory_space<vmem>>, vector<16xi32>,
    %and3A_578 = arith.constant 127 : i32
    %and3A_579 = vector.broadcast %and3A_578 : i32 to vector<16xi32>
    %and3A_580 = arith.andi %get3A_577, %and3A_579 : vector<16xi32>
    %add3A_581 = arith.constant 192 : i32
    %add3A_582 = vector.broadcast %add3A_581 : i32 to vector<16xi32>
    %add3A_583 = arith.addi %iota3A, %add3A_582 : vector<16xi32>
    %gather3A_584 = tpu.vector_load_idx %arg7[%add3A_583, %and3A_580] : memref<512x128xi32, #tpu.memory_space<vmem>>[vector<16xi32>, vector<16xi32>], vector<16xi32>,
    %bitcast3A_585 = vector.bitcast %gather3A_584 : vector<16xi32> to vector<16xf32>
    tpu.vector_store_idx %arg8[%add3A_583, %broadcast_in_dim3A_432], %bitcast3A_585 : memref<512x4xf32, #tpu.memory_space<vmem>>[vector<16xi32>, vector<16xi32>], vector<16xf32>,
    %get3A_586 = arith.constant 1 : i32
    %get3A_587 = arith.index_cast %get3A_586 : i32 to index
    %get3A_588 = arith.constant 80 : index
    %get3A_589 = tpu.vector_load %arg5[%get3A_587, %get3A_588] {strides = array<i32>} : memref<4x128xi32, #tpu.memory_space<vmem>>, vector<16xi32>,
    %and3A_590 = arith.constant 127 : i32
    %and3A_591 = vector.broadcast %and3A_590 : i32 to vector<16xi32>
    %and3A_592 = arith.andi %get3A_589, %and3A_591 : vector<16xi32>
    %add3A_593 = arith.constant 208 : i32
    %add3A_594 = vector.broadcast %add3A_593 : i32 to vector<16xi32>
    %add3A_595 = arith.addi %iota3A, %add3A_594 : vector<16xi32>
    %gather3A_596 = tpu.vector_load_idx %arg7[%add3A_595, %and3A_592] : memref<512x128xi32, #tpu.memory_space<vmem>>[vector<16xi32>, vector<16xi32>], vector<16xi32>,
    %bitcast3A_597 = vector.bitcast %gather3A_596 : vector<16xi32> to vector<16xf32>
    tpu.vector_store_idx %arg8[%add3A_595, %broadcast_in_dim3A_432], %bitcast3A_597 : memref<512x4xf32, #tpu.memory_space<vmem>>[vector<16xi32>, vector<16xi32>], vector<16xf32>,
    %get3A_598 = arith.constant 1 : i32
    %get3A_599 = arith.index_cast %get3A_598 : i32 to index
    %get3A_600 = arith.constant 96 : index
    %get3A_601 = tpu.vector_load %arg5[%get3A_599, %get3A_600] {strides = array<i32>} : memref<4x128xi32, #tpu.memory_space<vmem>>, vector<16xi32>,
    %and3A_602 = arith.constant 127 : i32
    %and3A_603 = vector.broadcast %and3A_602 : i32 to vector<16xi32>
    %and3A_604 = arith.andi %get3A_601, %and3A_603 : vector<16xi32>
    %add3A_605 = arith.constant 224 : i32
    %add3A_606 = vector.broadcast %add3A_605 : i32 to vector<16xi32>
    %add3A_607 = arith.addi %iota3A, %add3A_606 : vector<16xi32>
    %gather3A_608 = tpu.vector_load_idx %arg7[%add3A_607, %and3A_604] : memref<512x128xi32, #tpu.memory_space<vmem>>[vector<16xi32>, vector<16xi32>], vector<16xi32>,
    %bitcast3A_609 = vector.bitcast %gather3A_608 : vector<16xi32> to vector<16xf32>
    tpu.vector_store_idx %arg8[%add3A_607, %broadcast_in_dim3A_432], %bitcast3A_609 : memref<512x4xf32, #tpu.memory_space<vmem>>[vector<16xi32>, vector<16xi32>], vector<16xf32>,
    %get3A_610 = arith.constant 1 : i32
    %get3A_611 = arith.index_cast %get3A_610 : i32 to index
    %get3A_612 = arith.constant 112 : index
    %get3A_613 = tpu.vector_load %arg5[%get3A_611, %get3A_612] {strides = array<i32>} : memref<4x128xi32, #tpu.memory_space<vmem>>, vector<16xi32>,
    %and3A_614 = arith.constant 127 : i32
    %and3A_615 = vector.broadcast %and3A_614 : i32 to vector<16xi32>
    %and3A_616 = arith.andi %get3A_613, %and3A_615 : vector<16xi32>
    %add3A_617 = arith.constant 240 : i32
    %add3A_618 = vector.broadcast %add3A_617 : i32 to vector<16xi32>
    %add3A_619 = arith.addi %iota3A, %add3A_618 : vector<16xi32>
    %gather3A_620 = tpu.vector_load_idx %arg7[%add3A_619, %and3A_616] : memref<512x128xi32, #tpu.memory_space<vmem>>[vector<16xi32>, vector<16xi32>], vector<16xi32>,
    %bitcast3A_621 = vector.bitcast %gather3A_620 : vector<16xi32> to vector<16xf32>
    tpu.vector_store_idx %arg8[%add3A_619, %broadcast_in_dim3A_432], %bitcast3A_621 : memref<512x4xf32, #tpu.memory_space<vmem>>[vector<16xi32>, vector<16xi32>], vector<16xf32>,
    %get3A_622 = arith.constant 2 : i32
    %get3A_623 = arith.index_cast %get3A_622 : i32 to index
    %get3A_624 = arith.constant 0 : index
    %get3A_625 = tpu.vector_load %arg5[%get3A_623, %get3A_624] {strides = array<i32>} : memref<4x128xi32, #tpu.memory_space<vmem>>, vector<16xi32>,
    %and3A_626 = arith.constant 127 : i32
    %and3A_627 = vector.broadcast %and3A_626 : i32 to vector<16xi32>
    %and3A_628 = arith.andi %get3A_625, %and3A_627 : vector<16xi32>
    %add3A_629 = arith.constant 256 : i32
    %add3A_630 = vector.broadcast %add3A_629 : i32 to vector<16xi32>
    %add3A_631 = arith.addi %iota3A, %add3A_630 : vector<16xi32>
    %gather3A_632 = tpu.vector_load_idx %arg7[%add3A_631, %and3A_628] : memref<512x128xi32, #tpu.memory_space<vmem>>[vector<16xi32>, vector<16xi32>], vector<16xi32>,
    %bitcast3A_633 = vector.bitcast %gather3A_632 : vector<16xi32> to vector<16xf32>
    tpu.vector_store_idx %arg8[%add3A_631, %broadcast_in_dim3A_432], %bitcast3A_633 : memref<512x4xf32, #tpu.memory_space<vmem>>[vector<16xi32>, vector<16xi32>], vector<16xf32>,
    %get3A_634 = arith.constant 2 : i32
    %get3A_635 = arith.index_cast %get3A_634 : i32 to index
    %get3A_636 = arith.constant 16 : index
    %get3A_637 = tpu.vector_load %arg5[%get3A_635, %get3A_636] {strides = array<i32>} : memref<4x128xi32, #tpu.memory_space<vmem>>, vector<16xi32>,
    %and3A_638 = arith.constant 127 : i32
    %and3A_639 = vector.broadcast %and3A_638 : i32 to vector<16xi32>
    %and3A_640 = arith.andi %get3A_637, %and3A_639 : vector<16xi32>
    %add3A_641 = arith.constant 272 : i32
    %add3A_642 = vector.broadcast %add3A_641 : i32 to vector<16xi32>
    %add3A_643 = arith.addi %iota3A, %add3A_642 : vector<16xi32>
    %gather3A_644 = tpu.vector_load_idx %arg7[%add3A_643, %and3A_640] : memref<512x128xi32, #tpu.memory_space<vmem>>[vector<16xi32>, vector<16xi32>], vector<16xi32>,
    %bitcast3A_645 = vector.bitcast %gather3A_644 : vector<16xi32> to vector<16xf32>
    tpu.vector_store_idx %arg8[%add3A_643, %broadcast_in_dim3A_432], %bitcast3A_645 : memref<512x4xf32, #tpu.memory_space<vmem>>[vector<16xi32>, vector<16xi32>], vector<16xf32>,
    %get3A_646 = arith.constant 2 : i32
    %get3A_647 = arith.index_cast %get3A_646 : i32 to index
    %get3A_648 = arith.constant 32 : index
    %get3A_649 = tpu.vector_load %arg5[%get3A_647, %get3A_648] {strides = array<i32>} : memref<4x128xi32, #tpu.memory_space<vmem>>, vector<16xi32>,
    %and3A_650 = arith.constant 127 : i32
    %and3A_651 = vector.broadcast %and3A_650 : i32 to vector<16xi32>
    %and3A_652 = arith.andi %get3A_649, %and3A_651 : vector<16xi32>
    %add3A_653 = arith.constant 288 : i32
    %add3A_654 = vector.broadcast %add3A_653 : i32 to vector<16xi32>
    %add3A_655 = arith.addi %iota3A, %add3A_654 : vector<16xi32>
    %gather3A_656 = tpu.vector_load_idx %arg7[%add3A_655, %and3A_652] : memref<512x128xi32, #tpu.memory_space<vmem>>[vector<16xi32>, vector<16xi32>], vector<16xi32>,
    %bitcast3A_657 = vector.bitcast %gather3A_656 : vector<16xi32> to vector<16xf32>
    tpu.vector_store_idx %arg8[%add3A_655, %broadcast_in_dim3A_432], %bitcast3A_657 : memref<512x4xf32, #tpu.memory_space<vmem>>[vector<16xi32>, vector<16xi32>], vector<16xf32>,
    %get3A_658 = arith.constant 2 : i32
    %get3A_659 = arith.index_cast %get3A_658 : i32 to index
    %get3A_660 = arith.constant 48 : index
    %get3A_661 = tpu.vector_load %arg5[%get3A_659, %get3A_660] {strides = array<i32>} : memref<4x128xi32, #tpu.memory_space<vmem>>, vector<16xi32>,
    %and3A_662 = arith.constant 127 : i32
    %and3A_663 = vector.broadcast %and3A_662 : i32 to vector<16xi32>
    %and3A_664 = arith.andi %get3A_661, %and3A_663 : vector<16xi32>
    %add3A_665 = arith.constant 304 : i32
    %add3A_666 = vector.broadcast %add3A_665 : i32 to vector<16xi32>
    %add3A_667 = arith.addi %iota3A, %add3A_666 : vector<16xi32>
    %gather3A_668 = tpu.vector_load_idx %arg7[%add3A_667, %and3A_664] : memref<512x128xi32, #tpu.memory_space<vmem>>[vector<16xi32>, vector<16xi32>], vector<16xi32>,
    %bitcast3A_669 = vector.bitcast %gather3A_668 : vector<16xi32> to vector<16xf32>
    tpu.vector_store_idx %arg8[%add3A_667, %broadcast_in_dim3A_432], %bitcast3A_669 : memref<512x4xf32, #tpu.memory_space<vmem>>[vector<16xi32>, vector<16xi32>], vector<16xf32>,
    %get3A_670 = arith.constant 2 : i32
    %get3A_671 = arith.index_cast %get3A_670 : i32 to index
    %get3A_672 = arith.constant 64 : index
    %get3A_673 = tpu.vector_load %arg5[%get3A_671, %get3A_672] {strides = array<i32>} : memref<4x128xi32, #tpu.memory_space<vmem>>, vector<16xi32>,
    %and3A_674 = arith.constant 127 : i32
    %and3A_675 = vector.broadcast %and3A_674 : i32 to vector<16xi32>
    %and3A_676 = arith.andi %get3A_673, %and3A_675 : vector<16xi32>
    %add3A_677 = arith.constant 320 : i32
    %add3A_678 = vector.broadcast %add3A_677 : i32 to vector<16xi32>
    %add3A_679 = arith.addi %iota3A, %add3A_678 : vector<16xi32>
    %gather3A_680 = tpu.vector_load_idx %arg7[%add3A_679, %and3A_676] : memref<512x128xi32, #tpu.memory_space<vmem>>[vector<16xi32>, vector<16xi32>], vector<16xi32>,
    %bitcast3A_681 = vector.bitcast %gather3A_680 : vector<16xi32> to vector<16xf32>
    tpu.vector_store_idx %arg8[%add3A_679, %broadcast_in_dim3A_432], %bitcast3A_681 : memref<512x4xf32, #tpu.memory_space<vmem>>[vector<16xi32>, vector<16xi32>], vector<16xf32>,
    %get3A_682 = arith.constant 2 : i32
    %get3A_683 = arith.index_cast %get3A_682 : i32 to index
    %get3A_684 = arith.constant 80 : index
    %get3A_685 = tpu.vector_load %arg5[%get3A_683, %get3A_684] {strides = array<i32>} : memref<4x128xi32, #tpu.memory_space<vmem>>, vector<16xi32>,
    %and3A_686 = arith.constant 127 : i32
    %and3A_687 = vector.broadcast %and3A_686 : i32 to vector<16xi32>
    %and3A_688 = arith.andi %get3A_685, %and3A_687 : vector<16xi32>
    %add3A_689 = arith.constant 336 : i32
    %add3A_690 = vector.broadcast %add3A_689 : i32 to vector<16xi32>
    %add3A_691 = arith.addi %iota3A, %add3A_690 : vector<16xi32>
    %gather3A_692 = tpu.vector_load_idx %arg7[%add3A_691, %and3A_688] : memref<512x128xi32, #tpu.memory_space<vmem>>[vector<16xi32>, vector<16xi32>], vector<16xi32>,
    %bitcast3A_693 = vector.bitcast %gather3A_692 : vector<16xi32> to vector<16xf32>
    tpu.vector_store_idx %arg8[%add3A_691, %broadcast_in_dim3A_432], %bitcast3A_693 : memref<512x4xf32, #tpu.memory_space<vmem>>[vector<16xi32>, vector<16xi32>], vector<16xf32>,
    %get3A_694 = arith.constant 2 : i32
    %get3A_695 = arith.index_cast %get3A_694 : i32 to index
    %get3A_696 = arith.constant 96 : index
    %get3A_697 = tpu.vector_load %arg5[%get3A_695, %get3A_696] {strides = array<i32>} : memref<4x128xi32, #tpu.memory_space<vmem>>, vector<16xi32>,
    %and3A_698 = arith.constant 127 : i32
    %and3A_699 = vector.broadcast %and3A_698 : i32 to vector<16xi32>
    %and3A_700 = arith.andi %get3A_697, %and3A_699 : vector<16xi32>
    %add3A_701 = arith.constant 352 : i32
    %add3A_702 = vector.broadcast %add3A_701 : i32 to vector<16xi32>
    %add3A_703 = arith.addi %iota3A, %add3A_702 : vector<16xi32>
    %gather3A_704 = tpu.vector_load_idx %arg7[%add3A_703, %and3A_700] : memref<512x128xi32, #tpu.memory_space<vmem>>[vector<16xi32>, vector<16xi32>], vector<16xi32>,
    %bitcast3A_705 = vector.bitcast %gather3A_704 : vector<16xi32> to vector<16xf32>
    tpu.vector_store_idx %arg8[%add3A_703, %broadcast_in_dim3A_432], %bitcast3A_705 : memref<512x4xf32, #tpu.memory_space<vmem>>[vector<16xi32>, vector<16xi32>], vector<16xf32>,
    %get3A_706 = arith.constant 2 : i32
    %get3A_707 = arith.index_cast %get3A_706 : i32 to index
    %get3A_708 = arith.constant 112 : index
    %get3A_709 = tpu.vector_load %arg5[%get3A_707, %get3A_708] {strides = array<i32>} : memref<4x128xi32, #tpu.memory_space<vmem>>, vector<16xi32>,
    %and3A_710 = arith.constant 127 : i32
    %and3A_711 = vector.broadcast %and3A_710 : i32 to vector<16xi32>
    %and3A_712 = arith.andi %get3A_709, %and3A_711 : vector<16xi32>
    %add3A_713 = arith.constant 368 : i32
    %add3A_714 = vector.broadcast %add3A_713 : i32 to vector<16xi32>
    %add3A_715 = arith.addi %iota3A, %add3A_714 : vector<16xi32>
    %gather3A_716 = tpu.vector_load_idx %arg7[%add3A_715, %and3A_712] : memref<512x128xi32, #tpu.memory_space<vmem>>[vector<16xi32>, vector<16xi32>], vector<16xi32>,
    %bitcast3A_717 = vector.bitcast %gather3A_716 : vector<16xi32> to vector<16xf32>
    tpu.vector_store_idx %arg8[%add3A_715, %broadcast_in_dim3A_432], %bitcast3A_717 : memref<512x4xf32, #tpu.memory_space<vmem>>[vector<16xi32>, vector<16xi32>], vector<16xf32>,
    %get3A_718 = arith.constant 3 : i32
    %get3A_719 = arith.index_cast %get3A_718 : i32 to index
    %get3A_720 = arith.constant 0 : index
    %get3A_721 = tpu.vector_load %arg5[%get3A_719, %get3A_720] {strides = array<i32>} : memref<4x128xi32, #tpu.memory_space<vmem>>, vector<16xi32>,
    %and3A_722 = arith.constant 127 : i32
    %and3A_723 = vector.broadcast %and3A_722 : i32 to vector<16xi32>
    %and3A_724 = arith.andi %get3A_721, %and3A_723 : vector<16xi32>
    %add3A_725 = arith.constant 384 : i32
    %add3A_726 = vector.broadcast %add3A_725 : i32 to vector<16xi32>
    %add3A_727 = arith.addi %iota3A, %add3A_726 : vector<16xi32>
    %gather3A_728 = tpu.vector_load_idx %arg7[%add3A_727, %and3A_724] : memref<512x128xi32, #tpu.memory_space<vmem>>[vector<16xi32>, vector<16xi32>], vector<16xi32>,
    %bitcast3A_729 = vector.bitcast %gather3A_728 : vector<16xi32> to vector<16xf32>
    tpu.vector_store_idx %arg8[%add3A_727, %broadcast_in_dim3A_432], %bitcast3A_729 : memref<512x4xf32, #tpu.memory_space<vmem>>[vector<16xi32>, vector<16xi32>], vector<16xf32>,
    %get3A_730 = arith.constant 3 : i32
    %get3A_731 = arith.index_cast %get3A_730 : i32 to index
    %get3A_732 = arith.constant 16 : index
    %get3A_733 = tpu.vector_load %arg5[%get3A_731, %get3A_732] {strides = array<i32>} : memref<4x128xi32, #tpu.memory_space<vmem>>, vector<16xi32>,
    %and3A_734 = arith.constant 127 : i32
    %and3A_735 = vector.broadcast %and3A_734 : i32 to vector<16xi32>
    %and3A_736 = arith.andi %get3A_733, %and3A_735 : vector<16xi32>
    %add3A_737 = arith.constant 400 : i32
    %add3A_738 = vector.broadcast %add3A_737 : i32 to vector<16xi32>
    %add3A_739 = arith.addi %iota3A, %add3A_738 : vector<16xi32>
    %gather3A_740 = tpu.vector_load_idx %arg7[%add3A_739, %and3A_736] : memref<512x128xi32, #tpu.memory_space<vmem>>[vector<16xi32>, vector<16xi32>], vector<16xi32>,
    %bitcast3A_741 = vector.bitcast %gather3A_740 : vector<16xi32> to vector<16xf32>
    tpu.vector_store_idx %arg8[%add3A_739, %broadcast_in_dim3A_432], %bitcast3A_741 : memref<512x4xf32, #tpu.memory_space<vmem>>[vector<16xi32>, vector<16xi32>], vector<16xf32>,
    %get3A_742 = arith.constant 3 : i32
    %get3A_743 = arith.index_cast %get3A_742 : i32 to index
    %get3A_744 = arith.constant 32 : index
    %get3A_745 = tpu.vector_load %arg5[%get3A_743, %get3A_744] {strides = array<i32>} : memref<4x128xi32, #tpu.memory_space<vmem>>, vector<16xi32>,
    %and3A_746 = arith.constant 127 : i32
    %and3A_747 = vector.broadcast %and3A_746 : i32 to vector<16xi32>
    %and3A_748 = arith.andi %get3A_745, %and3A_747 : vector<16xi32>
    %add3A_749 = arith.constant 416 : i32
    %add3A_750 = vector.broadcast %add3A_749 : i32 to vector<16xi32>
    %add3A_751 = arith.addi %iota3A, %add3A_750 : vector<16xi32>
    %gather3A_752 = tpu.vector_load_idx %arg7[%add3A_751, %and3A_748] : memref<512x128xi32, #tpu.memory_space<vmem>>[vector<16xi32>, vector<16xi32>], vector<16xi32>,
    %bitcast3A_753 = vector.bitcast %gather3A_752 : vector<16xi32> to vector<16xf32>
    tpu.vector_store_idx %arg8[%add3A_751, %broadcast_in_dim3A_432], %bitcast3A_753 : memref<512x4xf32, #tpu.memory_space<vmem>>[vector<16xi32>, vector<16xi32>], vector<16xf32>,
    %get3A_754 = arith.constant 3 : i32
    %get3A_755 = arith.index_cast %get3A_754 : i32 to index
    %get3A_756 = arith.constant 48 : index
    %get3A_757 = tpu.vector_load %arg5[%get3A_755, %get3A_756] {strides = array<i32>} : memref<4x128xi32, #tpu.memory_space<vmem>>, vector<16xi32>,
    %and3A_758 = arith.constant 127 : i32
    %and3A_759 = vector.broadcast %and3A_758 : i32 to vector<16xi32>
    %and3A_760 = arith.andi %get3A_757, %and3A_759 : vector<16xi32>
    %add3A_761 = arith.constant 432 : i32
    %add3A_762 = vector.broadcast %add3A_761 : i32 to vector<16xi32>
    %add3A_763 = arith.addi %iota3A, %add3A_762 : vector<16xi32>
    %gather3A_764 = tpu.vector_load_idx %arg7[%add3A_763, %and3A_760] : memref<512x128xi32, #tpu.memory_space<vmem>>[vector<16xi32>, vector<16xi32>], vector<16xi32>,
    %bitcast3A_765 = vector.bitcast %gather3A_764 : vector<16xi32> to vector<16xf32>
    tpu.vector_store_idx %arg8[%add3A_763, %broadcast_in_dim3A_432], %bitcast3A_765 : memref<512x4xf32, #tpu.memory_space<vmem>>[vector<16xi32>, vector<16xi32>], vector<16xf32>,
    %get3A_766 = arith.constant 3 : i32
    %get3A_767 = arith.index_cast %get3A_766 : i32 to index
    %get3A_768 = arith.constant 64 : index
    %get3A_769 = tpu.vector_load %arg5[%get3A_767, %get3A_768] {strides = array<i32>} : memref<4x128xi32, #tpu.memory_space<vmem>>, vector<16xi32>,
    %and3A_770 = arith.constant 127 : i32
    %and3A_771 = vector.broadcast %and3A_770 : i32 to vector<16xi32>
    %and3A_772 = arith.andi %get3A_769, %and3A_771 : vector<16xi32>
    %add3A_773 = arith.constant 448 : i32
    %add3A_774 = vector.broadcast %add3A_773 : i32 to vector<16xi32>
    %add3A_775 = arith.addi %iota3A, %add3A_774 : vector<16xi32>
    %gather3A_776 = tpu.vector_load_idx %arg7[%add3A_775, %and3A_772] : memref<512x128xi32, #tpu.memory_space<vmem>>[vector<16xi32>, vector<16xi32>], vector<16xi32>,
    %bitcast3A_777 = vector.bitcast %gather3A_776 : vector<16xi32> to vector<16xf32>
    tpu.vector_store_idx %arg8[%add3A_775, %broadcast_in_dim3A_432], %bitcast3A_777 : memref<512x4xf32, #tpu.memory_space<vmem>>[vector<16xi32>, vector<16xi32>], vector<16xf32>,
    %get3A_778 = arith.constant 3 : i32
    %get3A_779 = arith.index_cast %get3A_778 : i32 to index
    %get3A_780 = arith.constant 80 : index
    %get3A_781 = tpu.vector_load %arg5[%get3A_779, %get3A_780] {strides = array<i32>} : memref<4x128xi32, #tpu.memory_space<vmem>>, vector<16xi32>,
    %and3A_782 = arith.constant 127 : i32
    %and3A_783 = vector.broadcast %and3A_782 : i32 to vector<16xi32>
    %and3A_784 = arith.andi %get3A_781, %and3A_783 : vector<16xi32>
    %add3A_785 = arith.constant 464 : i32
    %add3A_786 = vector.broadcast %add3A_785 : i32 to vector<16xi32>
    %add3A_787 = arith.addi %iota3A, %add3A_786 : vector<16xi32>
    %gather3A_788 = tpu.vector_load_idx %arg7[%add3A_787, %and3A_784] : memref<512x128xi32, #tpu.memory_space<vmem>>[vector<16xi32>, vector<16xi32>], vector<16xi32>,
    %bitcast3A_789 = vector.bitcast %gather3A_788 : vector<16xi32> to vector<16xf32>
    tpu.vector_store_idx %arg8[%add3A_787, %broadcast_in_dim3A_432], %bitcast3A_789 : memref<512x4xf32, #tpu.memory_space<vmem>>[vector<16xi32>, vector<16xi32>], vector<16xf32>,
    %get3A_790 = arith.constant 3 : i32
    %get3A_791 = arith.index_cast %get3A_790 : i32 to index
    %get3A_792 = arith.constant 96 : index
    %get3A_793 = tpu.vector_load %arg5[%get3A_791, %get3A_792] {strides = array<i32>} : memref<4x128xi32, #tpu.memory_space<vmem>>, vector<16xi32>,
    %and3A_794 = arith.constant 127 : i32
    %and3A_795 = vector.broadcast %and3A_794 : i32 to vector<16xi32>
    %and3A_796 = arith.andi %get3A_793, %and3A_795 : vector<16xi32>
    %add3A_797 = arith.constant 480 : i32
    %add3A_798 = vector.broadcast %add3A_797 : i32 to vector<16xi32>
    %add3A_799 = arith.addi %iota3A, %add3A_798 : vector<16xi32>
    %gather3A_800 = tpu.vector_load_idx %arg7[%add3A_799, %and3A_796] : memref<512x128xi32, #tpu.memory_space<vmem>>[vector<16xi32>, vector<16xi32>], vector<16xi32>,
    %bitcast3A_801 = vector.bitcast %gather3A_800 : vector<16xi32> to vector<16xf32>
    tpu.vector_store_idx %arg8[%add3A_799, %broadcast_in_dim3A_432], %bitcast3A_801 : memref<512x4xf32, #tpu.memory_space<vmem>>[vector<16xi32>, vector<16xi32>], vector<16xf32>,
    %get3A_802 = arith.constant 3 : i32
    %get3A_803 = arith.index_cast %get3A_802 : i32 to index
    %get3A_804 = arith.constant 112 : index
    %get3A_805 = tpu.vector_load %arg5[%get3A_803, %get3A_804] {strides = array<i32>} : memref<4x128xi32, #tpu.memory_space<vmem>>, vector<16xi32>,
    %and3A_806 = arith.constant 127 : i32
    %and3A_807 = vector.broadcast %and3A_806 : i32 to vector<16xi32>
    %and3A_808 = arith.andi %get3A_805, %and3A_807 : vector<16xi32>
    %add3A_809 = arith.constant 496 : i32
    %add3A_810 = vector.broadcast %add3A_809 : i32 to vector<16xi32>
    %add3A_811 = arith.addi %iota3A, %add3A_810 : vector<16xi32>
    %gather3A_812 = tpu.vector_load_idx %arg7[%add3A_811, %and3A_808] : memref<512x128xi32, #tpu.memory_space<vmem>>[vector<16xi32>, vector<16xi32>], vector<16xi32>,
    %bitcast3A_813 = vector.bitcast %gather3A_812 : vector<16xi32> to vector<16xf32>
    tpu.vector_store_idx %arg8[%add3A_811, %broadcast_in_dim3A_432], %bitcast3A_813 : memref<512x4xf32, #tpu.memory_space<vmem>>[vector<16xi32>, vector<16xi32>], vector<16xf32>,
    "tpu.region"() ({
      %run_scoped3A = tpu.sem_alloc : memref<!tpu.dma_semaphore, #tpu.memory_space<semaphore_mem>>
      %dma_start3A_814 = arith.constant 0 : i32
      %dma_start3A_815 = tpu.memref_slice %arg4[%mul3A_2, %dma_start3A_814] : memref<16384x128xf32, #tpu.memory_space<hbm>> -> memref<512x4xf32, #tpu.memory_space<hbm>>
      %dma_start3A_816 = arith.constant 0 : i32
      %dma_start3A_817 = tpu.memref_slice %arg4[%mul3A_2, %dma_start3A_816] : memref<16384x128xf32, #tpu.memory_space<hbm>> -> memref<512x4xf32, #tpu.memory_space<hbm>>
      tpu.enqueue_dma source(%arg8 : memref<512x4xf32, #tpu.memory_space<vmem>>) target(%dma_start3A_817 : memref<512x4xf32, #tpu.memory_space<hbm>>) target_semaphore(%run_scoped3A : memref<!tpu.dma_semaphore, #tpu.memory_space<semaphore_mem>>)
      %dma_wait3A_818 = arith.constant 0 : i32
      %dma_wait3A_819 = tpu.memref_slice %arg4[%mul3A_2, %dma_wait3A_818] : memref<16384x128xf32, #tpu.memory_space<hbm>> -> memref<512x4xf32, #tpu.memory_space<hbm>>
      %dma_wait3A_820 = arith.constant 0 : i32
      %dma_wait3A_821 = tpu.memref_slice %arg4[%mul3A_2, %dma_wait3A_820] : memref<16384x128xf32, #tpu.memory_space<hbm>> -> memref<512x4xf32, #tpu.memory_space<hbm>>
      tpu.wait_dma2 semaphore(%run_scoped3A : memref<!tpu.dma_semaphore, #tpu.memory_space<semaphore_mem>>) src(%arg8 : memref<512x4xf32, #tpu.memory_space<vmem>>) dst(%dma_wait3A_821 : memref<512x4xf32, #tpu.memory_space<hbm>>)
      tpu.yield
    }) : () -> ()
    return
  }
}

module attributes {stable_mosaic.version = 14 : i64} {
  func.func @_tc_body(%arg0: i32, %arg1: memref<2048x128xf32, #tpu.memory_space<vmem>>, %arg2: memref<2048x128xf32, #tpu.memory_space<vmem>>, %arg3: memref<64x16xf32, #tpu.memory_space<vmem>>, %arg4: memref<32x16xf32, #tpu.memory_space<vmem>>, %arg5: memref<32x16xf32, #tpu.memory_space<vmem>>, %arg6: memref<32x16xf32, #tpu.memory_space<vmem>>, %arg7: memref<1x128xf32, #tpu.memory_space<vmem>>, %arg8: memref<1x128xf32, #tpu.memory_space<vmem>>, %arg9: memref<1x128xf32, #tpu.memory_space<vmem>>, %arg10: memref<1x128xf32, #tpu.memory_space<vmem>>, %arg11: memref<128x128xf32, #tpu.memory_space<vmem>>, %arg12: memref<2048x128xf32, #tpu.memory_space<vmem>>) attributes {dimension_semantics = [#tpu.dimension_semantics<arbitrary>], iteration_bounds = array<i64: 8>, scalar_prefetch = 0 : i64, scratch_operands = 0 : i64, tpu.core_type = #tpu.core_type<tc>, window_params = [{transform_indices = @transform_0, window_bounds = array<i64: 2048, 128>}, {transform_indices = @transform_1, window_bounds = array<i64: 2048, 128>}, {pipeline_mode = #tpu.pipeline_mode<synchronous>, transform_indices = @transform_2, window_bounds = array<i64: 64, 16>}, {pipeline_mode = #tpu.pipeline_mode<synchronous>, transform_indices = @transform_3, window_bounds = array<i64: 32, 16>}, {pipeline_mode = #tpu.pipeline_mode<synchronous>, transform_indices = @transform_4, window_bounds = array<i64: 32, 16>}, {pipeline_mode = #tpu.pipeline_mode<synchronous>, transform_indices = @transform_5, window_bounds = array<i64: 32, 16>}, {pipeline_mode = #tpu.pipeline_mode<synchronous>, transform_indices = @transform_6, window_bounds = array<i64: 1, 128>}, {pipeline_mode = #tpu.pipeline_mode<synchronous>, transform_indices = @transform_7, window_bounds = array<i64: 1, 128>}, {pipeline_mode = #tpu.pipeline_mode<synchronous>, transform_indices = @transform_8, window_bounds = array<i64: 1, 128>}, {pipeline_mode = #tpu.pipeline_mode<synchronous>, transform_indices = @transform_9, window_bounds = array<i64: 1, 128>}, {pipeline_mode = #tpu.pipeline_mode<synchronous>, transform_indices = @transform_10, window_bounds = array<i64: 128, 128>}, {transform_indices = @transform_11, window_bounds = array<i64: 2048, 128>}]} {
    %get3A = arith.constant 0 : index
    %get3A_0 = arith.constant 0 : index
    %get3A_1 = vector.load %arg7[%get3A, %get3A_0] : memref<1x128xf32, #tpu.memory_space<vmem>>, vector<1x128xf32>
    %get3A_2 = arith.constant 0 : index
    %get3A_3 = arith.constant 0 : index
    %get3A_4 = vector.load %arg10[%get3A_2, %get3A_3] : memref<1x128xf32, #tpu.memory_space<vmem>>, vector<1x128xf32>
    %add3A = arith.constant 1.000000e-03 : f32
    %add3A_5 = vector.broadcast %add3A : f32 to vector<1x128xf32>
    %add3A_6 = arith.addf %get3A_4, %add3A_5 : vector<1x128xf32>
    %rsqrt3A = math.rsqrt %add3A_6 : vector<1x128xf32>
    %mul3A = arith.mulf %get3A_1, %rsqrt3A : vector<1x128xf32>
    %get3A_7 = arith.constant 0 : index
    %get3A_8 = arith.constant 0 : index
    %get3A_9 = vector.load %arg8[%get3A_7, %get3A_8] : memref<1x128xf32, #tpu.memory_space<vmem>>, vector<1x128xf32>
    %get3A_10 = arith.constant 0 : index
    %get3A_11 = arith.constant 0 : index
    %get3A_12 = vector.load %arg9[%get3A_10, %get3A_11] : memref<1x128xf32, #tpu.memory_space<vmem>>, vector<1x128xf32>
    %mul3A_13 = arith.mulf %get3A_12, %mul3A : vector<1x128xf32>
    %sub3A = arith.subf %get3A_9, %mul3A_13 : vector<1x128xf32>
    %get3A_14 = arith.constant 0 : index
    %get3A_15 = arith.constant 0 : index
    %get3A_16 = vector.load %arg2[%get3A_14, %get3A_15] : memref<2048x128xf32, #tpu.memory_space<vmem>>, vector<2048x1xf32>
    %bitcast_convert_type3A = tpu.bitcast %get3A_16 : vector<2048x1xf32> -> vector<2048x1xi32>
    %and3A = arith.constant 63 : i32
    %and3A_17 = vector.broadcast %and3A : i32 to vector<2048x1xi32>
    %and3A_18 = arith.andi %bitcast_convert_type3A, %and3A_17 : vector<2048x1xi32>
    %iota3A = tpu.iota {dimensions = array<i32: 1>} : vector<1x64xi32>
    %eq3A = vector.broadcast %and3A_18 : vector<2048x1xi32> to vector<2048x64xi32>
    %eq3A_19 = vector.broadcast %iota3A : vector<1x64xi32> to vector<2048x64xi32>
    %eq3A_20 = arith.cmpi eq, %eq3A, %eq3A_19 : vector<2048x64xi32>
    %convert_element_type3A = arith.extui %eq3A_20 : vector<2048x64xi1> to vector<2048x64xi32>
    %convert_element_type3A_21 = arith.sitofp %convert_element_type3A : vector<2048x64xi32> to vector<2048x64xf32>
    %get3A_22 = arith.constant 0 : index
    %get3A_23 = arith.constant 0 : index
    %get3A_24 = vector.load %arg3[%get3A_22, %get3A_23] : memref<64x16xf32, #tpu.memory_space<vmem>>, vector<64x16xf32>
    %dot_general3A = arith.constant dense<0.000000e+00> : vector<2048x16xf32>
    %dot_general3A_25 = tpu.matmul %convert_element_type3A_21, %get3A_24, %dot_general3A {dimension_numbers = #tpu.dot_dimension_numbers<[1], [0], [0], [1], [0, 0, 1, 1], [], []>, transpose_lhs_hint = false} : vector<2048x64xf32>, vector<64x16xf32>, vector<2048x16xf32> -> vector<2048x16xf32>
    %shift_right_arithmetic3A = arith.constant 6 : i32
    %shift_right_arithmetic3A_26 = vector.broadcast %shift_right_arithmetic3A : i32 to vector<2048x1xi32>
    %shift_right_arithmetic3A_27 = arith.shrsi %bitcast_convert_type3A, %shift_right_arithmetic3A_26 : vector<2048x1xi32>
    %and3A_28 = arith.constant 31 : i32
    %and3A_29 = vector.broadcast %and3A_28 : i32 to vector<2048x1xi32>
    %and3A_30 = arith.andi %shift_right_arithmetic3A_27, %and3A_29 : vector<2048x1xi32>
    %iota3A_31 = tpu.iota {dimensions = array<i32: 1>} : vector<1x32xi32>
    %eq3A_32 = vector.broadcast %and3A_30 : vector<2048x1xi32> to vector<2048x32xi32>
    %eq3A_33 = vector.broadcast %iota3A_31 : vector<1x32xi32> to vector<2048x32xi32>
    %eq3A_34 = arith.cmpi eq, %eq3A_32, %eq3A_33 : vector<2048x32xi32>
    %convert_element_type3A_35 = arith.extui %eq3A_34 : vector<2048x32xi1> to vector<2048x32xi32>
    %convert_element_type3A_36 = arith.sitofp %convert_element_type3A_35 : vector<2048x32xi32> to vector<2048x32xf32>
    %get3A_37 = arith.constant 0 : index
    %get3A_38 = arith.constant 0 : index
    %get3A_39 = vector.load %arg4[%get3A_37, %get3A_38] : memref<32x16xf32, #tpu.memory_space<vmem>>, vector<32x16xf32>
    %dot_general3A_40 = arith.constant dense<0.000000e+00> : vector<2048x16xf32>
    %dot_general3A_41 = tpu.matmul %convert_element_type3A_36, %get3A_39, %dot_general3A_40 {dimension_numbers = #tpu.dot_dimension_numbers<[1], [0], [0], [1], [0, 0, 1, 1], [], []>, transpose_lhs_hint = false} : vector<2048x32xf32>, vector<32x16xf32>, vector<2048x16xf32> -> vector<2048x16xf32>
    %shift_right_arithmetic3A_42 = arith.constant 11 : i32
    %shift_right_arithmetic3A_43 = vector.broadcast %shift_right_arithmetic3A_42 : i32 to vector<2048x1xi32>
    %shift_right_arithmetic3A_44 = arith.shrsi %bitcast_convert_type3A, %shift_right_arithmetic3A_43 : vector<2048x1xi32>
    %and3A_45 = arith.constant 31 : i32
    %and3A_46 = vector.broadcast %and3A_45 : i32 to vector<2048x1xi32>
    %and3A_47 = arith.andi %shift_right_arithmetic3A_44, %and3A_46 : vector<2048x1xi32>
    %iota3A_48 = tpu.iota {dimensions = array<i32: 1>} : vector<1x32xi32>
    %eq3A_49 = vector.broadcast %and3A_47 : vector<2048x1xi32> to vector<2048x32xi32>
    %eq3A_50 = vector.broadcast %iota3A_48 : vector<1x32xi32> to vector<2048x32xi32>
    %eq3A_51 = arith.cmpi eq, %eq3A_49, %eq3A_50 : vector<2048x32xi32>
    %convert_element_type3A_52 = arith.extui %eq3A_51 : vector<2048x32xi1> to vector<2048x32xi32>
    %convert_element_type3A_53 = arith.sitofp %convert_element_type3A_52 : vector<2048x32xi32> to vector<2048x32xf32>
    %get3A_54 = arith.constant 0 : index
    %get3A_55 = arith.constant 0 : index
    %get3A_56 = vector.load %arg5[%get3A_54, %get3A_55] : memref<32x16xf32, #tpu.memory_space<vmem>>, vector<32x16xf32>
    %dot_general3A_57 = arith.constant dense<0.000000e+00> : vector<2048x16xf32>
    %dot_general3A_58 = tpu.matmul %convert_element_type3A_53, %get3A_56, %dot_general3A_57 {dimension_numbers = #tpu.dot_dimension_numbers<[1], [0], [0], [1], [0, 0, 1, 1], [], []>, transpose_lhs_hint = false} : vector<2048x32xf32>, vector<32x16xf32>, vector<2048x16xf32> -> vector<2048x16xf32>
    %shift_right_arithmetic3A_59 = arith.constant 16 : i32
    %shift_right_arithmetic3A_60 = vector.broadcast %shift_right_arithmetic3A_59 : i32 to vector<2048x1xi32>
    %shift_right_arithmetic3A_61 = arith.shrsi %bitcast_convert_type3A, %shift_right_arithmetic3A_60 : vector<2048x1xi32>
    %and3A_62 = arith.constant 31 : i32
    %and3A_63 = vector.broadcast %and3A_62 : i32 to vector<2048x1xi32>
    %and3A_64 = arith.andi %shift_right_arithmetic3A_61, %and3A_63 : vector<2048x1xi32>
    %iota3A_65 = tpu.iota {dimensions = array<i32: 1>} : vector<1x32xi32>
    %eq3A_66 = vector.broadcast %and3A_64 : vector<2048x1xi32> to vector<2048x32xi32>
    %eq3A_67 = vector.broadcast %iota3A_65 : vector<1x32xi32> to vector<2048x32xi32>
    %eq3A_68 = arith.cmpi eq, %eq3A_66, %eq3A_67 : vector<2048x32xi32>
    %convert_element_type3A_69 = arith.extui %eq3A_68 : vector<2048x32xi1> to vector<2048x32xi32>
    %convert_element_type3A_70 = arith.sitofp %convert_element_type3A_69 : vector<2048x32xi32> to vector<2048x32xf32>
    %get3A_71 = arith.constant 0 : index
    %get3A_72 = arith.constant 0 : index
    %get3A_73 = vector.load %arg6[%get3A_71, %get3A_72] : memref<32x16xf32, #tpu.memory_space<vmem>>, vector<32x16xf32>
    %dot_general3A_74 = arith.constant dense<0.000000e+00> : vector<2048x16xf32>
    %dot_general3A_75 = tpu.matmul %convert_element_type3A_70, %get3A_73, %dot_general3A_74 {dimension_numbers = #tpu.dot_dimension_numbers<[1], [0], [0], [1], [0, 0, 1, 1], [], []>, transpose_lhs_hint = false} : vector<2048x32xf32>, vector<32x16xf32>, vector<2048x16xf32> -> vector<2048x16xf32>
    %get3A_76 = arith.constant 0 : index
    %get3A_77 = arith.constant 0 : index
    %get3A_78 = vector.load %arg1[%get3A_76, %get3A_77] : memref<2048x128xf32, #tpu.memory_space<vmem>>, vector<2048x64xf32>
    %concatenate3A = tpu.concatenate %get3A_78, %dot_general3A_41, %dot_general3A_58, %dot_general3A_75, %dot_general3A_25 in 1 : vector<2048x64xf32>, vector<2048x16xf32>, vector<2048x16xf32>, vector<2048x16xf32>, vector<2048x16xf32> -> vector<2048x128xf32>
    %mul3A_79 = vector.broadcast %mul3A : vector<1x128xf32> to vector<2048x128xf32>
    %mul3A_80 = arith.mulf %concatenate3A, %mul3A_79 : vector<2048x128xf32>
    %add3A_81 = vector.broadcast %sub3A : vector<1x128xf32> to vector<2048x128xf32>
    %add3A_82 = arith.addf %mul3A_80, %add3A_81 : vector<2048x128xf32>
    %get3A_83 = arith.constant 0 : index
    %get3A_84 = arith.constant 0 : index
    %get3A_85 = vector.load %arg11[%get3A_83, %get3A_84] : memref<128x128xf32, #tpu.memory_space<vmem>>, vector<128x128xf32>
    %dot_general3A_86 = arith.constant dense<0.000000e+00> : vector<2048x128xf32>
    %dot_general3A_87 = tpu.matmul %add3A_82, %get3A_85, %dot_general3A_86 {dimension_numbers = #tpu.dot_dimension_numbers<[1], [0], [0], [1], [0, 0, 1, 1], [], []>, transpose_lhs_hint = false} : vector<2048x128xf32>, vector<128x128xf32>, vector<2048x128xf32> -> vector<2048x128xf32>
    %swap3A = arith.constant 0 : index
    %swap3A_88 = arith.constant 0 : index
    %swap3A_89 = vector.load %arg12[%swap3A, %swap3A_88] : memref<2048x128xf32, #tpu.memory_space<vmem>>, vector<2048x128xf32>
    tpu.vector_store %arg12[%swap3A, %swap3A_88], %dot_general3A_87 {strides = array<i32>} : memref<2048x128xf32, #tpu.memory_space<vmem>>, vector<2048x128xf32>,
    return
  }
  func.func @transform_0(%arg0: i32) -> (i32, i32) {
    %c0_i32 = arith.constant 0 : i32
    %c0_i32_0 = arith.constant 0 : i32
    return %arg0, %c0_i32 : i32, i32
  }
  func.func @transform_1(%arg0: i32) -> (i32, i32) {
    %c0_i32 = arith.constant 0 : i32
    %c0_i32_0 = arith.constant 0 : i32
    return %arg0, %c0_i32 : i32, i32
  }
  func.func @transform_2(%arg0: i32) -> (i32, i32) {
    %c0_i32 = arith.constant 0 : i32
    %c0_i32_0 = arith.constant 0 : i32
    %c0_i32_1 = arith.constant 0 : i32
    return %c0_i32, %c0_i32_0 : i32, i32
  }
  func.func @transform_3(%arg0: i32) -> (i32, i32) {
    %c0_i32 = arith.constant 0 : i32
    %c0_i32_0 = arith.constant 0 : i32
    %c0_i32_1 = arith.constant 0 : i32
    return %c0_i32, %c0_i32_0 : i32, i32
  }
  func.func @transform_4(%arg0: i32) -> (i32, i32) {
    %c0_i32 = arith.constant 0 : i32
    %c0_i32_0 = arith.constant 0 : i32
    %c0_i32_1 = arith.constant 0 : i32
    return %c0_i32, %c0_i32_0 : i32, i32
  }
  func.func @transform_5(%arg0: i32) -> (i32, i32) {
    %c0_i32 = arith.constant 0 : i32
    %c0_i32_0 = arith.constant 0 : i32
    %c0_i32_1 = arith.constant 0 : i32
    return %c0_i32, %c0_i32_0 : i32, i32
  }
  func.func @transform_6(%arg0: i32) -> (i32, i32) {
    %c0_i32 = arith.constant 0 : i32
    %c0_i32_0 = arith.constant 0 : i32
    %c0_i32_1 = arith.constant 0 : i32
    return %c0_i32, %c0_i32_0 : i32, i32
  }
  func.func @transform_7(%arg0: i32) -> (i32, i32) {
    %c0_i32 = arith.constant 0 : i32
    %c0_i32_0 = arith.constant 0 : i32
    %c0_i32_1 = arith.constant 0 : i32
    return %c0_i32, %c0_i32_0 : i32, i32
  }
  func.func @transform_8(%arg0: i32) -> (i32, i32) {
    %c0_i32 = arith.constant 0 : i32
    %c0_i32_0 = arith.constant 0 : i32
    %c0_i32_1 = arith.constant 0 : i32
    return %c0_i32, %c0_i32_0 : i32, i32
  }
  func.func @transform_9(%arg0: i32) -> (i32, i32) {
    %c0_i32 = arith.constant 0 : i32
    %c0_i32_0 = arith.constant 0 : i32
    %c0_i32_1 = arith.constant 0 : i32
    return %c0_i32, %c0_i32_0 : i32, i32
  }
  func.func @transform_10(%arg0: i32) -> (i32, i32) {
    %c0_i32 = arith.constant 0 : i32
    %c0_i32_0 = arith.constant 0 : i32
    %c0_i32_1 = arith.constant 0 : i32
    return %c0_i32, %c0_i32_0 : i32, i32
  }
  func.func @transform_11(%arg0: i32) -> (i32, i32) {
    %c0_i32 = arith.constant 0 : i32
    %c0_i32_0 = arith.constant 0 : i32
    return %arg0, %c0_i32 : i32, i32
  }
}

</mosaic_0001>

<sc_bundles>
// kernel: kernel.5.cloned.1.call-start
scs
__scs_entry_jumppad:
0x0: {  	(pc) =	sbr.rel $0x88, $3  }
0x1: {  	(tag) =	ssettag $0x0;
	lr =	simm.s32 $0x1  }
0x2: {  	[smem:$0x3F92] =	sst lr;
	_ =	strace $0xD0000000  }
0x3: {  	_ = 	snop  }
0x4: {  	_ = 	snop  }
0x5: {  	_ = 	snop  }
0x6: {  	_ = 	snop  }
0x7: {  	_ = 	snop  }
__scs_overlays_trampoline_lowered:
0x8: {  	[smem:$0x3FA1] =	sst s0  }
0x9: {  	[smem:$0x3FA2] =	sst s1  }
0xa: {  	[smem:$0x3FA3] =	sst s2  }
0xb: {  	[smem:$0x3FA4] =	sst s3  }
0xc: {  	[smem:$0x3FA5] =	sst s4  }
0xd: {  	[smem:$0x3FA6] =	sst s5  }
0xe: {  	[smem:$0x3FA7] =	sst s6  }
0xf: {  	[smem:$0x3FA8] =	sst s7  }
0x10: {  	[smem:$0x3FA9] =	sst s8  }
0x11: {  	[smem:$0x3FAA] =	sst s9;
	s0 =	simm.s32 @!p0 $0x0  }
0x12: {  	s1 =	sld [smem:$0x3F90];
	s0 =	simm.s32 @p0 $0x1  }
0x13: {  	[smem:$0x3FAB] =	sst s0;
	s0 =	simm.s32 @!p1 $0x0  }
0x14: {  	s2 =	sld [smem:$0x3F8F];
	s0 =	simm.s32 @p1 $0x1  }
0x15: {  	[smem:$0x3FAC] =	sst s0;
	s0 =	simm.s32 @!p2 $0x0  }
0x16: {  	s3 =	sld [smem:$0x3FDB];
	s0 =	simm.s32 @p2 $0x1  }
0x17: {  	s4 =	simm.s32 $0x1BF5;
	[smem:$0x3FAE] =	sst s0  }
0x18: {  	s0 =	sld [smem:$0x3F91];
	_ =	swait.ge [sflag:s4], $0x0  }
0x19: {  	s7 =	sld [smem:$0x3F92]  }
0x1a: {  	s8 =	sadd.s32 $0xFFFFE003, lr  }
0x1b: {  	s9 =	sadd.s32 $0xFFFFFEF7, lr;
	s5 =	simm.s32 $0xFFFFFFFF;
	p2 =	slt.u32 s8, $0xFFFFF086  }
0x1c: {  	p1 =	slt.u32 s9, $0xF7A;
	s5 =	simm.s32 @!p2 $0x0  }
0x1d: {  	s5 =	simm.s32 @p1 $0x1;
	p0 =	seq.s32 s7, s2  }
0x1e: {  	s7 =	smul.u32 @!p0 $0xF7A, s2;
	p2 =	seq.s32 @!p0 s5, $0x0  }
0x1f: {  	s9 =	smul.u32 $0xF7A, s1;
	s8 =	simm.s32 @!p0 $0x1BF5;
	p2 =	por !p2, p0  }
0x20: {  	[sflag:s8] =	ssyncset.s32 @!p0 $0xFFFFF086;
	s6 =	sadd.s32 @!p0 s3, s7;
	s7 =	simm.s32 @!p0 $0x108  }
0x21: {  	s3 =	sadd.s32 s3, s9;
	s6 =	sadd.s32 @!p0 $0x88, s6;
	s7 =	simm.s32 @p2 $0x1082  }
0x22: {  	[simem:s7], [sflag:s8] =	dma.local @!p0 [hbm:s6], $0xF7A  }
0x23: {  	s9 =	sor.u32 $0xD0000000, s2;
	s6 =	simm.s32 $0x108;
	_ =	swait.ge @!p0 [sflag:s8], $0x0  }
0x24: {  	s3 =	sadd.s32 $0x88, s3;
	s6 =	simm.s32 @!p1 $0x1082;
	[sflag:s4] =	ssyncset.s32 $0xFFFFF086  }
0x25: {  	[simem:s6], [sflag:s4] =	dma.local [hbm:s3], $0xF7A  }
0x26: {  	[smem:$0x3F92] =	sst s1;
	(tag) =	ssettag s2;
	_ =	strace s9  }
0x27: {  	s1 =	sld [smem:$0x3FA2]  }
0x28: {  	s2 =	sld [smem:$0x3FA3]  }
0x29: {  	s4 =	sld [smem:$0x3FA5]  }
0x2a: {  	p0 =	seq.s32 s5, $0x0;
	s5 =	sld [smem:$0x3FA6]  }
0x2b: {  	s6 =	sld [smem:$0x3FA7]  }
0x2c: {  	s7 =	sld [smem:$0x3FA8]  }
0x2d: {  	s3 =	simm.s32 $0x108;
	s8 =	sld [smem:$0x3FA9]  }
0x2e: {  	s3 =	simm.s32 @!p0 $0x1082;
	s9 =	sld [smem:$0x3FAA]  }
0x2f: {  	lr =	sadd.s32 s0, s3;
	s0 =	sld [smem:$0x3FA1]  }
0x30: {  	s3 =	sld [smem:$0x3FA4]  }
0x31: {  	[smem:$0x3FAD] =	sst s10  }
0x32: {  	s10 =	sld [smem:$0x3FAB];
	_ =	sdelay $0x3  }
0x33: {  	p0 =	seq.s32 s10, $0x1;
	s10 =	sld [smem:$0x3FAD];
	_ =	sdelay $0x3  }
0x34: {  	[smem:$0x3FAD] =	sst s10  }
0x35: {  	s10 =	sld [smem:$0x3FAC];
	_ =	sdelay $0x3  }
0x36: {  	p1 =	seq.s32 s10, $0x1;
	s10 =	sld [smem:$0x3FAD];
	_ =	sdelay $0x3  }
0x37: {  	[smem:$0x3FAD] =	sst s10  }
0x38: {  	s10 =	sld [smem:$0x3FAE]  }
0x39: {  	_ = 	snop;
	(pc) =	sbr.ind lr, $3  }
0x3a: {  	_ = 	snop  }
0x3b: {  	_ = 	snop  }
0x3c: {  	p2 =	seq.s32 s10, $0x1;
	s10 =	sld [smem:$0x3FAD]  }
0x3d: {  	_ =	shalt  }
0x3e: {  	_ =	shalt  }
0x3f: {  	_ =	shalt  }
0x40: {  	_ =	shalt  }
0x41: {  	_ =	shalt  }
0x42: {  	_ =	shalt  }
0x43: {  	_ =	shalt  }
0x44: {  	_ =	shalt  }
0x45: {  	_ =	shalt  }
0x46: {  	_ =	shalt  }
0x47: {  	_ =	shalt  }
0x48: {  	_ =	shalt  }
0x49: {  	_ =	shalt  }
0x4a: {  	_ =	shalt  }
0x4b: {  	_ =	shalt  }
0x4c: {  	_ =	shalt  }
0x4d: {  	_ =	shalt  }
0x4e: {  	_ =	shalt  }
0x4f: {  	_ =	shalt  }
0x50: {  	_ =	shalt  }
0x51: {  	_ =	shalt  }
0x52: {  	_ =	shalt  }
0x53: {  	_ =	shalt  }
0x54: {  	_ =	shalt  }
0x55: {  	_ =	shalt  }
0x56: {  	_ =	shalt  }
0x57: {  	_ =	shalt  }
0x58: {  	_ =	shalt  }
0x59: {  	_ =	shalt  }
0x5a: {  	_ =	shalt  }
0x5b: {  	_ =	shalt  }
0x5c: {  	_ =	shalt  }
0x5d: {  	_ =	shalt  }
0x5e: {  	_ =	shalt  }
0x5f: {  	_ =	shalt  }
0x60: {  	_ =	shalt  }
0x61: {  	_ =	shalt  }
0x62: {  	_ =	shalt  }
0x63: {  	_ =	shalt  }
0x64: {  	_ =	shalt  }
0x65: {  	_ =	shalt  }
0x66: {  	_ =	shalt  }
0x67: {  	_ =	shalt  }
0x68: {  	_ =	shalt  }
0x69: {  	_ =	shalt  }
0x6a: {  	_ =	shalt  }
0x6b: {  	_ =	shalt  }
0x6c: {  	_ =	shalt  }
0x6d: {  	_ =	shalt  }
0x6e: {  	_ =	shalt  }
0x6f: {  	_ =	shalt  }
0x70: {  	_ =	shalt  }
0x71: {  	_ =	shalt  }
0x72: {  	_ =	shalt  }
0x73: {  	_ =	shalt  }
0x74: {  	_ =	shalt  }
0x75: {  	_ =	shalt  }
0x76: {  	_ =	shalt  }
0x77: {  	_ =	shalt  }
0x78: {  	_ =	shalt  }
0x79: {  	_ =	shalt  }
0x7a: {  	_ =	shalt  }
0x7b: {  	_ =	shalt  }
0x7c: {  	_ =	shalt  }
0x7d: {  	_ =	shalt  }
0x7e: {  	_ =	shalt  }
0x7f: {  	_ =	shalt  }
0x80: {  	_ =	shalt  }
0x81: {  	_ =	shalt  }
0x82: {  	_ =	shalt  }
0x83: {  	_ =	shalt  }
0x84: {  	_ =	shalt  }
0x85: {  	_ =	shalt  }
0x86: {  	_ =	shalt  }
0x87: {  	_ =	shalt  }
.Lfunc_end0:
.L_simem_size_0:
called_computation_lowered:
.L_overlay_start_0:
0x88: {  	s2 =	sld [smem:$0x3FD9]  }
0x89: {  	s3 =	sld [smem:$0x3FFE];
	_ =	sdelay $0x1  }
0x8a: {  	s1 =	srdreg.scid  }
0x8b: {  	s0 =	sand.u32 $0x1, s1  }
0x8c: {  	s17 =	sshll.u32 s0, $0xA;
	s2 =	sadd.s32 s3, s2  }
0x8d: {  	s2 =	sadd.s32 s2, s17  }
0x8e: {  	[smem:$0x3FB9] =	sst s2  }
0x8f: {  	_ = 	snop  }
0x90: {  	s4 =	sld [smem:$0x3FC9]  }
0x91: {  	s18 =	sld [smem:$0x3FD0];
	(tm) =	ssettm $0x1  }
0x92: {  	s19 =	sld [smem:$0x3FFB];
	_ =	sdelay $0x3  }
0x93: {  	_ =	strace s19  }
0x94: {  	s2 =	sld [smem:$0x3FFC];
	_ =	sdelay $0x3  }
0x95: {  	_ =	strace s2  }
0x96: {  	s2 =	sld [smem:$0x3FFD];
	_ =	sdelay $0x3  }
0x97: {  	_ =	strace s2  }
0x98: {  	_ =	strace $0x8FFFFFFF  }
0x99: {  	s20 =	sld [smem:$0x3FDB];
	_ =	sdelay $0x1  }
0x9a: {  	s5 =	simm.s32 $_scs_section_size  }
0x9b: {  	s6 =	simm.s32 $_size__tile_overlayer_lowered;
	s7 =	simm.s32 $_tile_overlayer_lowered  }
0x9c: {  	s8 =	simm.s32 $0x1BFF;
	s21 =	sshll.u32 s7, $0x1;
	s5 =	sadd.s32 s5, s20  }
0x9d: {  	s22 =	simm.s32 $0x0;
	s6 =	sshll.u32 s6, $0x1;
	s7 =	sadd.s32 s21, s5  }
0x9e: {  	[timem:s22], [sflag:s8] =	dma.local [hbm:s7], s6  }
0x9f: {  	_ =	swait.ge [sflag:s8], s6  }
0xa0: {  	s6 =	ssub.s32 $0x0, s6;
	[sflag:s8] =	ssyncset.done $0x0  }
0xa1: {  	[sflag:s8] =	ssyncadd.s32 s6;
	_ =	sdelay $0x1  }
0xa2: {  	s23 =	simm.s32 $0x1B8B  }
0xa3: {  	_ =	swait.ge [sflag:s23], $0x1  }
0xa4: {  	[sflag:s23] =	ssyncset.done $0x0  }
0xa5: {  	[sflag:s23] =	ssyncadd.s32 $0xFFFFFFFF  }
0xa6: {  	s6 =	sld [smem:$0x0]  }
0xa7: {  	s7 =	sand.u32 $0xFFFFFFFE, s1  }
0xa8: {  	p0 =	sne.s32 s1, s7  }
0xa9: {  	s7 =	sshll.u32 @p0 s7, $0xE  }
0xaa: {  	s7 =	sadd.s32 @p0 $0x11B8D, s7;
	s8 =	sshll.u32 @p0 s6, $0x11  }
0xab: {  	s7 =	sor.u32 @p0 s8, s7  }
0xac: {  	[sflag:s7] =	ssyncadd.remote.s32 @p0 $0x1;
	_ =	sdelay $0x1  }
0xad: {  	s7 =	simm.s32 @p0 $0x1B8D  }
0xae: {  	_ =	swait.eq @p0 [sflag:s7], $0x1  }
0xaf: {  	[sflag:s7] =	ssyncadd.s32 @p0 $0xFFFFFFFF  }
0xb0: {  	s8 =	sshll.u32 @!p0 s1, $0xE  }
0xb1: {  	s8 =	sor.u32 @!p0 $0x4000, s8;
	s7 =	simm.s32 @!p0 $0x1B8D  }
0xb2: {  	s6 =	sshll.u32 @!p0 s6, $0x11;
	s8 =	sadd.s32 @!p0 $0x11B8D, s8;
	_ =	swait.eq @!p0 [sflag:s7], $0x1  }
0xb3: {  	s6 =	sor.u32 @!p0 s6, s8;
	[sflag:s7] =	ssyncadd.s32 @!p0 $0xFFFFFFFF  }
0xb4: {  	s25 =	simm.s32 $0x1B8E;
	s24 =	sld [smem:$0x3FFE];
	[sflag:s6] =	ssyncadd.remote.s32 @!p0 $0x1  }
0xb5: {  	s26 =	simm.s32 $execute0_lowered;
	[smem:$0x3FD2] =	sst s25  }
0xb6: {  	s7 =	sshll.u32 s26, $0x1;
	_ =	strace $0x80000049;
	[dreg:$0x1] =	wrdreg $0xFFFFFFFF  }
0xb7: {  	s28 =	simm.s32 $_size_execute0_lowered;
	s5 =	sadd.s32 s5, s7;
	[dreg:$0x0] =	wrdreg $0x0  }
0xb8: {  	s7 =	sshll.u32 s28, $0x1;
	[dreg:$0x2] =	wrdreg s5  }
0xb9: {  	[dreg:$0x3] =	wrdreg s7  }
0xba: {  	[dreg:$0x4] =	wrdreg $0xC0  }
0xbb: {  	_ =	task [dreg:s22], $0x5FFFF  }
0xbc: {  	[dreg:$0x1] =	wrdreg $0xFFFFFFFF  }
0xbd: {  	[dreg:$0x0] =	wrdreg $0x60  }
0xbe: {  	[dreg:$0x2] =	wrdreg s4  }
0xbf: {  	[dreg:$0x3] =	wrdreg s24  }
0xc0: {  	[dreg:$0x4] =	wrdreg s18  }
0xc1: {  	[dreg:$0x5] =	wrdreg $0x9  }
0xc2: {  	_ =	task.clear_ibuf [dreg:s22], $0x6FFFF;
	_ =	strace $0x90000049  }
0xc3: {  	s29 =	simm.s32 $0x9;
	_ =	strace $0x8000004B  }
0xc4: {  	_ =	swait.ge [sflag:s29], $0x1  }
0xc5: {  	[sflag:s29] =	ssyncadd.s32 $0xFFFFFFFF  }
0xc6: {  	_ =	strace $0x9000004B  }
0xc7: {  	_ =	sfence  }
0xc8: {  	s30 =	sld [smem:$0x0];
	_ =	sdelay $0x2  }
0xc9: {  	s31 =	sshll.u32 s1, $0xD;
	s1 =	sshrl.u32 s1, $0x2  }
0xca: {  	s4 =	sand.u32 $0x4000, s31;
	s1 =	sadd.s32 s1, s30  }
0xcb: {  	s0 =	sor.u32 s4, s0;
	s1 =	sshll.u32 s1, $0x11  }
0xcc: {  	s0 =	sor.u32 s1, s0  }
0xcd: {  	s0 =	sadd.s32 $0x8F2B, s0  }
0xce: {  	[sflag:s0] =	ssyncadd.remote.s32 $0x1  }
0xcf: {  	_ =	sfence.sel $0xFFFF  }
0xd0: {  	[dreg:$0x0] =	wrdreg $0xFFFFFFFF;
	(pc) =	sbr.abs _section_cstart, $3  }
0xd1: {  	[dreg:$0x1] =	wrdreg $0xFFFFFFFF  }
0xd2: {  	_ =	task.clear_ibuf [dreg:s22], $0x2FFFF;
	_ =	strace $0x9FFFFFFF  }
0xd3: {  	(tm) =	ssettm $0x7FFFFFFF  }
tec
execute0_lowered:
.L_overlay_start_1:
0x0: {  	(tag) =	ssettag $0x1  }
0x1: {  	v1 =	vlaneseq.u32  }
0x2: {  	v0 =	vmul.u32 $0x80, v1  }
0x3: {  	v1 =	vmul.u32 $0x8, v1  }
0x4: {  	v2 =	vor.u32 $0x800, v0  }
0x5: {  	v7 =	vor.u32 $0x180, v1;
	v8 =	vor.u32 $0x2000, v0;
	v9 =	vor.u32 $0x200, v1  }
0x6: {  	v10 =	vor.u32 $0x2800, v0;
	v11 =	vor.u32 $0x280, v1;
	v12 =	vor.u32 $0x3000, v0  }
0x7: {  	v13 =	vor.u32 $0x300, v1;
	v14 =	vor.u32 $0x3800, v0;
	v15 =	vor.u32 $0x380, v1  }
0x8: {  	v16 =	vor.u32 $0x4000, v0;
	v17 =	vor.u32 $0x400, v1;
	v18 =	vor.u32 $0x4800, v0  }
0x9: {  	v19 =	vor.u32 $0x480, v1;
	v20 =	vor.u32 $0x5000, v0;
	v21 =	vor.u32 $0x500, v1  }
0xa: {  	v22 =	vor.u32 $0x5800, v0;
	v23 =	vor.u32 $0x580, v1;
	v24 =	vor.u32 $0x6000, v0  }
0xb: {  	v25 =	vor.u32 $0x600, v1;
	v26 =	vor.u32 $0x6800, v0;
	v27 =	vor.u32 $0x680, v1  }
0xc: {  	s4 =	rddreg [dreg:$0x0];
	v28 =	vor.u32 $0x7000, v0;
	v29 =	vor.u32 $0x700, v1;
	v30 =	vor.u32 $0x7800, v0  }
0xd: {  	s3 =	rddreg [dreg:$0x1];
	v31 =	vor.u32 $0x780, v1;
	v32 =	vor.u32 $0x8000, v0;
	v33 =	vor.u32 $0x800, v1  }
0xe: {  	s5 =	rddreg [dreg:$0x2];
	v34 =	vor.u32 $0x8800, v0;
	v35 =	vor.u32 $0x880, v1;
	v36 =	vor.u32 $0x9000, v0  }
0xf: {  	s0 =	rddreg [dreg:$0x3];
	s1 =	simm.s32 $0x0;
	s6 =	srdreg.scid;
	v37 =	vor.u32 $0x900, v1;
	v38 =	vor.u32 $0x9800, v0;
	v39 =	vor.u32 $0x980, v1  }
0x10: {  	s2 =	stileid.u32;
	s10 =	simm.s32 $0x400;
	s11 =	simm.s32 $0x280;
	v40 =	vor.u32 $0xA000, v0;
	v41 =	vor.u32 $0xA00, v1;
	v42 =	vor.u32 $0xA800, v0  }
0x11: {  	s12 =	simm.s32 $0x4400;
	s13 =	simm.s32 $0x300;
	s14 =	simm.s32 $0x8400;
	v43 =	vor.u32 $0xA80, v1;
	v44 =	vor.u32 $0xB000, v0;
	v45 =	vor.u32 $0xB00, v1  }
0x12: {  	s15 =	simm.s32 $0x380;
	s16 =	simm.s32 $0xC400;
	s17 =	simm.s32 $0x1;
	v46 =	vor.u32 $0xB800, v0;
	v47 =	vor.u32 $0xB80, v1;
	v48 =	vor.u32 $0xC000, v0  }
0x13: {  	s18 =	simm.s32 $0x0;
	s6 =	sand.u32 $0x1, s6;
	s8 =	sshll.u32 s2, $0x1;
	v49 =	vor.u32 $0xC00, v1;
	v50 =	vor.u32 $0xC800, v0;
	[tilespmem:$0x1FFB0] =	vst v2;
	v2 =	vor.u32 $0x80, v1  }
0x14: {  	[smem:$0x7FF] =	sst s1;
	s7 =	ssub.s32 $0x2, s6;
	s6 =	sor.u32 s6, s8;
	v51 =	vor.u32 $0xC80, v1;
	v52 =	vor.u32 $0xD000, v0;
	[tilespmem:$0x1FFC0] =	vst v2;
	v2 =	vor.u32 $0x1000, v0  }
0x15: {  	s3 =	sadd.s32 $0x42600, s3;
	s9 =	sshrl.u32 s7, $0x1;
	s8 =	sshll.u32 s6, $0x6;
	v53 =	vor.u32 $0xD00, v1;
	v54 =	vor.u32 $0xD800, v0;
	[tilespmem:$0x1FFD0] =	vst v2;
	v2 =	vor.u32 $0x100, v1  }
0x16: {  	s6 =	sshll.u32 s6, $0xD;
	v55 =	vor.u32 $0xD80, v1;
	v56 =	vor.u32 $0xE000, v0;
	s7 =	ssub.s32 s7, s9;
	s4 =	sadd.s32 s4, s8;
	[tilespmem:$0x1FFE0] =	vst v2;
	v2 =	vor.u32 $0x1800, v0  }
0x17: {  	v57 =	vor.u32 $0xE00, v1;
	v58 =	vor.u32 $0xE800, v0;
	v59 =	vor.u32 $0xE80, v1;
	s5 =	sadd.s32 s5, s6;
	s8 =	simm.s32 $0x80;
	s9 =	simm.s32 $0x200;
	[tilespmem:$0x1FFF0] =	vst v2  }
0x18: {  	v60 =	vor.u32 $0xF000, v0;
	v61 =	vor.u32 $0xF00, v1;
	v62 =	vor.u32 $0xF800, v0;
	s6 =	smax.u32 s7, $0x1;
	s7 =	simm.s32 $0x2;
	_ =	strace $0x8000004A  }
.LBB2_1:
0x19: {  	[tilespmem:s1], [sflag:$0x2] =	stream.linear.gather [hbm4b:s4+s1], $0x200, $0x38;
	[tilespmem:$0x11400] =	vst v63  }
0x1a: {  	_ =	swait.ge [sflag:s7], $0x200  }
0x1b: {  	[sflag:s7] =	ssyncset.done $0x0  }
0x1c: {  	[sflag:s7] =	ssyncadd.s32 $0xFFFFFE00  }
0x1d: {  	v63 =	vld [tilespmem:$0x0]  }
0x1e: {  	v2 =	vld [tilespmem:$0x10]  }
0x1f: {  	v3 =	vld [tilespmem:$0x20]  }
0x20: {  	v4 =	vld [tilespmem:$0x30]  }
0x21: {  	v5 =	vld [tilespmem:$0x40]  }
0x22: {  	v6 =	vld [tilespmem:$0x50];
	v63 =	vshrl.u32 v63, $0x7  }
0x23: {  	v2 =	vshrl.u32 v2, $0x7;
	[tilespmem:$0x200] =	vst v63;
	v63 =	vld [tilespmem:$0x60]  }
0x24: {  	[tilespmem:$0x210] =	vst v2;
	v2 =	vshrl.u32 v3, $0x7;
	v3 =	vld [tilespmem:$0x70]  }
0x25: {  	[tilespmem:$0x220] =	vst v2;
	v2 =	vshrl.u32 v4, $0x7;
	v4 =	vld [tilespmem:$0x80]  }
0x26: {  	[tilespmem:$0x230] =	vst v2;
	v2 =	vshrl.u32 v5, $0x7;
	v5 =	vld [tilespmem:$0x90]  }
0x27: {  	[tilespmem:$0x240] =	vst v2;
	v2 =	vshrl.u32 v6, $0x7;
	v6 =	vld [tilespmem:$0xA0]  }
0x28: {  	[tilespmem:$0x250] =	vst v2;
	v2 =	vshrl.u32 v63, $0x7;
	v63 =	vld [tilespmem:$0xB0]  }
0x29: {  	[tilespmem:$0x260] =	vst v2;
	v2 =	vshrl.u32 v3, $0x7;
	v3 =	vld [tilespmem:$0xC0]  }
0x2a: {  	[tilespmem:$0x270] =	vst v2;
	v2 =	vshrl.u32 v4, $0x7;
	v4 =	vld [tilespmem:$0xD0]  }
0x2b: {  	[tilespmem:$0x280] =	vst v2;
	v2 =	vshrl.u32 v5, $0x7;
	v5 =	vld [tilespmem:$0xE0]  }
0x2c: {  	[tilespmem:$0x290] =	vst v2;
	v2 =	vshrl.u32 v6, $0x7;
	v6 =	vld [tilespmem:$0xF0]  }
0x2d: {  	[tilespmem:$0x2A0] =	vst v2;
	v2 =	vshrl.u32 v63, $0x7;
	v63 =	vld [tilespmem:$0x100]  }
0x2e: {  	[tilespmem:$0x2B0] =	vst v2;
	v2 =	vshrl.u32 v3, $0x7;
	v3 =	vld [tilespmem:$0x110]  }
0x2f: {  	[tilespmem:$0x2C0] =	vst v2;
	v2 =	vshrl.u32 v4, $0x7;
	v4 =	vld [tilespmem:$0x120]  }
0x30: {  	[tilespmem:$0x2D0] =	vst v2;
	v2 =	vshrl.u32 v5, $0x7;
	v5 =	vld [tilespmem:$0x130]  }
0x31: {  	[tilespmem:$0x2E0] =	vst v2;
	v2 =	vshrl.u32 v6, $0x7;
	v6 =	vld [tilespmem:$0x140]  }
0x32: {  	[tilespmem:$0x2F0] =	vst v2;
	v2 =	vshrl.u32 v63, $0x7;
	v63 =	vld [tilespmem:$0x150]  }
0x33: {  	[tilespmem:$0x300] =	vst v2;
	v2 =	vshrl.u32 v3, $0x7;
	v3 =	vld [tilespmem:$0x160]  }
0x34: {  	[tilespmem:$0x310] =	vst v2;
	v2 =	vshrl.u32 v4, $0x7;
	v4 =	vld [tilespmem:$0x170]  }
0x35: {  	[tilespmem:$0x320] =	vst v2;
	v2 =	vshrl.u32 v5, $0x7;
	v5 =	vld [tilespmem:$0x180]  }
0x36: {  	[tilespmem:$0x330] =	vst v2;
	v2 =	vshrl.u32 v6, $0x7;
	v6 =	vld [tilespmem:$0x190]  }
0x37: {  	[tilespmem:$0x340] =	vst v2;
	v2 =	vshrl.u32 v63, $0x7;
	v63 =	vld [tilespmem:$0x1A0]  }
0x38: {  	[tilespmem:$0x350] =	vst v2;
	v2 =	vshrl.u32 v3, $0x7;
	v3 =	vld [tilespmem:$0x1B0]  }
0x39: {  	[tilespmem:$0x360] =	vst v2;
	v2 =	vshrl.u32 v4, $0x7;
	v4 =	vld [tilespmem:$0x1C0]  }
0x3a: {  	[tilespmem:$0x370] =	vst v2;
	v2 =	vshrl.u32 v5, $0x7;
	v5 =	vld [tilespmem:$0x1D0]  }
0x3b: {  	[tilespmem:$0x380] =	vst v2;
	v2 =	vshrl.u32 v6, $0x7;
	v6 =	vld [tilespmem:$0x1E0]  }
0x3c: {  	[tilespmem:$0x390] =	vst v2;
	v2 =	vshrl.u32 v63, $0x7;
	v63 =	vld [tilespmem:$0x1F0]  }
0x3d: {  	[tilespmem:$0x3A0] =	vst v2;
	v2 =	vshrl.u32 v3, $0x7  }
0x3e: {  	[tilespmem:$0x3B0] =	vst v2;
	v2 =	vshrl.u32 v4, $0x7  }
0x3f: {  	[tilespmem:$0x3C0] =	vst v2;
	v2 =	vshrl.u32 v5, $0x7  }
0x40: {  	[tilespmem:$0x3D0] =	vst v2;
	v2 =	vshrl.u32 v6, $0x7  }
0x41: {  	[tilespmem:$0x3E0] =	vst v2;
	v2 =	vshrl.u32 v63, $0x7  }
0x42: {  	[tilespmem:$0x3F0] =	vst v2  }
0x43: {  	[tilespmem:s10], [sflag:$0x1] =	stream.indirect.gather [hbm4b:s3+s8], $0x80, s9, s8, $0xb8;
	[tilespmem:$0x11400] =	vst v63  }
0x44: {  	_ = 	snop  }
0x45: {  	[tilespmem:s12], [sflag:$0x1] =	stream.indirect.gather [hbm4b:s3+s8], $0x80, s11, s8, $0xb8;
	[tilespmem:$0x11400] =	vst v63  }
0x46: {  	_ = 	snop  }
0x47: {  	[tilespmem:s14], [sflag:$0x1] =	stream.indirect.gather [hbm4b:s3+s8], $0x80, s13, s8, $0xb8;
	[tilespmem:$0x11400] =	vst v63  }
0x48: {  	_ = 	snop  }
0x49: {  	[tilespmem:s16], [sflag:$0x1] =	stream.indirect.gather [hbm4b:s3+s8], $0x80, s15, s8, $0xb8;
	[tilespmem:$0x11400] =	vst v63  }
0x4a: {  	_ =	swait.ge [sflag:s17], $0x4000  }
0x4b: {  	[sflag:s17] =	ssyncset.done $0x0  }
0x4c: {  	[sflag:s17] =	ssyncadd.s32 $0xFFFFC000  }
0x4d: {  	_ =	swait.ge [sflag:s17], $0x4000  }
0x4e: {  	[sflag:s17] =	ssyncset.done $0x0  }
0x4f: {  	[sflag:s17] =	ssyncadd.s32 $0xFFFFC000  }
0x50: {  	_ =	swait.ge [sflag:s17], $0x4000  }
0x51: {  	[sflag:s17] =	ssyncset.done $0x0  }
0x52: {  	[sflag:s17] =	ssyncadd.s32 $0xFFFFC000  }
0x53: {  	_ =	swait.ge [sflag:s17], $0x4000  }
0x54: {  	[sflag:s17] =	ssyncset.done $0x0  }
0x55: {  	[sflag:s17] =	ssyncadd.s32 $0xFFFFC000  }
0x56: {  	v2 =	vld [tilespmem:$0x0];
	_ =	sdelay $0x4  }
0x57: {  	v2 =	vand.u32 $0x7F, v2  }
0x58: {  	v2 =	vor.u32 v0, v2;
	_ =	sdelay $0x4  }
0x59: {  	v2 =	vld.idx.msk [tilespmem:v2+s10+$0x0], $0xffff;
	_ =	sdelay $0x3  }
0x5a: {  	s19 =	simm.s32 $0x10400  }
0x5b: {  	[tilespmem:v1+s19+$0x0] =	vst.idx.msk $0xffff, v2  }
0x5c: {  	v2 =	vld [tilespmem:$0x10]  }
0x5d: {  	v3 =	vld [tilespmem:$0x1FFB0];
	_ =	sdelay $0x3  }
0x5e: {  	v2 =	vand.u32 $0x7F, v2  }
0x5f: {  	v2 =	vor.u32 v3, v2;
	_ =	sdelay $0x1  }
0x60: {  	v3 =	vld [tilespmem:$0x1FFC0];
	_ =	sdelay $0x2  }
0x61: {  	v2 =	vld.idx.msk [tilespmem:v2+s10+$0x0], $0xffff;
	_ =	sdelay $0x4  }
0x62: {  	[tilespmem:v3+s19+$0x0] =	vst.idx.msk $0xffff, v2  }
0x63: {  	v2 =	vld [tilespmem:$0x20]  }
0x64: {  	v3 =	vld [tilespmem:$0x1FFD0];
	_ =	sdelay $0x3  }
0x65: {  	v2 =	vand.u32 $0x7F, v2  }
0x66: {  	v2 =	vor.u32 v3, v2;
	_ =	sdelay $0x1  }
0x67: {  	v3 =	vld [tilespmem:$0x1FFE0];
	_ =	sdelay $0x2  }
0x68: {  	v2 =	vld.idx.msk [tilespmem:v2+s10+$0x0], $0xffff;
	_ =	sdelay $0x4  }
0x69: {  	[tilespmem:v3+s19+$0x0] =	vst.idx.msk $0xffff, v2  }
0x6a: {  	v2 =	vld [tilespmem:$0x30]  }
0x6b: {  	v3 =	vld [tilespmem:$0x1FFF0];
	_ =	sdelay $0x3  }
0x6c: {  	v2 =	vand.u32 $0x7F, v2  }
0x6d: {  	v2 =	vor.u32 v3, v2;
	_ =	sdelay $0x4  }
0x6e: {  	v2 =	vld.idx.msk [tilespmem:v2+s10+$0x0], $0xffff;
	_ =	sdelay $0x4  }
0x6f: {  	[tilespmem:v7+s19+$0x0] =	vst.idx.msk $0xffff, v2  }
0x70: {  	v2 =	vld [tilespmem:$0x40];
	_ =	sdelay $0x4  }
0x71: {  	v2 =	vand.u32 $0x7F, v2  }
0x72: {  	v2 =	vor.u32 v8, v2;
	_ =	sdelay $0x4  }
0x73: {  	v2 =	vld.idx.msk [tilespmem:v2+s10+$0x0], $0xffff;
	_ =	sdelay $0x4  }
0x74: {  	[tilespmem:v9+s19+$0x0] =	vst.idx.msk $0xffff, v2  }
0x75: {  	v2 =	vld [tilespmem:$0x50];
	_ =	sdelay $0x4  }
0x76: {  	v2 =	vand.u32 $0x7F, v2  }
0x77: {  	v2 =	vor.u32 v10, v2;
	_ =	sdelay $0x4  }
0x78: {  	v2 =	vld.idx.msk [tilespmem:v2+s10+$0x0], $0xffff;
	_ =	sdelay $0x4  }
0x79: {  	[tilespmem:v11+s19+$0x0] =	vst.idx.msk $0xffff, v2  }
0x7a: {  	v2 =	vld [tilespmem:$0x60];
	_ =	sdelay $0x4  }
0x7b: {  	v2 =	vand.u32 $0x7F, v2  }
0x7c: {  	v2 =	vor.u32 v12, v2;
	_ =	sdelay $0x4  }
0x7d: {  	v2 =	vld.idx.msk [tilespmem:v2+s10+$0x0], $0xffff;
	_ =	sdelay $0x4  }
0x7e: {  	[tilespmem:v13+s19+$0x0] =	vst.idx.msk $0xffff, v2  }
0x7f: {  	v2 =	vld [tilespmem:$0x70];
	_ =	sdelay $0x4  }
0x80: {  	v2 =	vand.u32 $0x7F, v2  }
0x81: {  	v2 =	vor.u32 v14, v2;
	_ =	sdelay $0x4  }
0x82: {  	v2 =	vld.idx.msk [tilespmem:v2+s10+$0x0], $0xffff;
	_ =	sdelay $0x4  }
0x83: {  	[tilespmem:v15+s19+$0x0] =	vst.idx.msk $0xffff, v2  }
0x84: {  	v2 =	vld [tilespmem:$0x80];
	_ =	sdelay $0x4  }
0x85: {  	v2 =	vand.u32 $0x7F, v2  }
0x86: {  	v2 =	vor.u32 v16, v2;
	_ =	sdelay $0x4  }
0x87: {  	v2 =	vld.idx.msk [tilespmem:v2+s10+$0x0], $0xffff;
	_ =	sdelay $0x4  }
0x88: {  	[tilespmem:v17+s19+$0x0] =	vst.idx.msk $0xffff, v2  }
0x89: {  	v2 =	vld [tilespmem:$0x90];
	_ =	sdelay $0x4  }
0x8a: {  	v2 =	vand.u32 $0x7F, v2  }
0x8b: {  	v2 =	vor.u32 v18, v2;
	_ =	sdelay $0x4  }
0x8c: {  	v2 =	vld.idx.msk [tilespmem:v2+s10+$0x0], $0xffff;
	_ =	sdelay $0x4  }
0x8d: {  	[tilespmem:v19+s19+$0x0] =	vst.idx.msk $0xffff, v2  }
0x8e: {  	v2 =	vld [tilespmem:$0xA0];
	_ =	sdelay $0x4  }
0x8f: {  	v2 =	vand.u32 $0x7F, v2  }
0x90: {  	v2 =	vor.u32 v20, v2;
	_ =	sdelay $0x4  }
0x91: {  	v2 =	vld.idx.msk [tilespmem:v2+s10+$0x0], $0xffff;
	_ =	sdelay $0x4  }
0x92: {  	[tilespmem:v21+s19+$0x0] =	vst.idx.msk $0xffff, v2  }
0x93: {  	v2 =	vld [tilespmem:$0xB0];
	_ =	sdelay $0x4  }
0x94: {  	v2 =	vand.u32 $0x7F, v2  }
0x95: {  	v2 =	vor.u32 v22, v2;
	_ =	sdelay $0x4  }
0x96: {  	v2 =	vld.idx.msk [tilespmem:v2+s10+$0x0], $0xffff;
	_ =	sdelay $0x4  }
0x97: {  	[tilespmem:v23+s19+$0x0] =	vst.idx.msk $0xffff, v2  }
0x98: {  	v2 =	vld [tilespmem:$0xC0];
	_ =	sdelay $0x4  }
0x99: {  	v2 =	vand.u32 $0x7F, v2  }
0x9a: {  	v2 =	vor.u32 v24, v2;
	_ =	sdelay $0x4  }
0x9b: {  	v2 =	vld.idx.msk [tilespmem:v2+s10+$0x0], $0xffff;
	_ =	sdelay $0x4  }
0x9c: {  	[tilespmem:v25+s19+$0x0] =	vst.idx.msk $0xffff, v2  }
0x9d: {  	v2 =	vld [tilespmem:$0xD0];
	_ =	sdelay $0x4  }
0x9e: {  	v2 =	vand.u32 $0x7F, v2  }
0x9f: {  	v2 =	vor.u32 v26, v2;
	_ =	sdelay $0x4  }
0xa0: {  	v2 =	vld.idx.msk [tilespmem:v2+s10+$0x0], $0xffff;
	_ =	sdelay $0x4  }
0xa1: {  	[tilespmem:v27+s19+$0x0] =	vst.idx.msk $0xffff, v2  }
0xa2: {  	v2 =	vld [tilespmem:$0xE0];
	_ =	sdelay $0x4  }
0xa3: {  	v2 =	vand.u32 $0x7F, v2  }
0xa4: {  	v2 =	vor.u32 v28, v2;
	_ =	sdelay $0x4  }
0xa5: {  	v2 =	vld.idx.msk [tilespmem:v2+s10+$0x0], $0xffff;
	_ =	sdelay $0x4  }
0xa6: {  	[tilespmem:v29+s19+$0x0] =	vst.idx.msk $0xffff, v2  }
0xa7: {  	v2 =	vld [tilespmem:$0xF0];
	_ =	sdelay $0x4  }
0xa8: {  	v2 =	vand.u32 $0x7F, v2  }
0xa9: {  	v2 =	vor.u32 v30, v2;
	_ =	sdelay $0x4  }
0xaa: {  	v2 =	vld.idx.msk [tilespmem:v2+s10+$0x0], $0xffff;
	_ =	sdelay $0x4  }
0xab: {  	[tilespmem:v31+s19+$0x0] =	vst.idx.msk $0xffff, v2  }
0xac: {  	v2 =	vld [tilespmem:$0x100];
	_ =	sdelay $0x4  }
0xad: {  	v2 =	vand.u32 $0x7F, v2  }
0xae: {  	v2 =	vor.u32 v32, v2;
	_ =	sdelay $0x4  }
0xaf: {  	v2 =	vld.idx.msk [tilespmem:v2+s10+$0x0], $0xffff;
	_ =	sdelay $0x4  }
0xb0: {  	[tilespmem:v33+s19+$0x0] =	vst.idx.msk $0xffff, v2  }
0xb1: {  	v2 =	vld [tilespmem:$0x110];
	_ =	sdelay $0x4  }
0xb2: {  	v2 =	vand.u32 $0x7F, v2  }
0xb3: {  	v2 =	vor.u32 v34, v2;
	_ =	sdelay $0x4  }
0xb4: {  	v2 =	vld.idx.msk [tilespmem:v2+s10+$0x0], $0xffff;
	_ =	sdelay $0x4  }
0xb5: {  	[tilespmem:v35+s19+$0x0] =	vst.idx.msk $0xffff, v2  }
0xb6: {  	v2 =	vld [tilespmem:$0x120];
	_ =	sdelay $0x4  }
0xb7: {  	v2 =	vand.u32 $0x7F, v2  }
0xb8: {  	v2 =	vor.u32 v36, v2;
	_ =	sdelay $0x4  }
0xb9: {  	v2 =	vld.idx.msk [tilespmem:v2+s10+$0x0], $0xffff;
	_ =	sdelay $0x4  }
0xba: {  	[tilespmem:v37+s19+$0x0] =	vst.idx.msk $0xffff, v2  }
0xbb: {  	v2 =	vld [tilespmem:$0x130];
	_ =	sdelay $0x4  }
0xbc: {  	v2 =	vand.u32 $0x7F, v2  }
0xbd: {  	v2 =	vor.u32 v38, v2;
	_ =	sdelay $0x4  }
0xbe: {  	v2 =	vld.idx.msk [tilespmem:v2+s10+$0x0], $0xffff;
	_ =	sdelay $0x4  }
0xbf: {  	[tilespmem:v39+s19+$0x0] =	vst.idx.msk $0xffff, v2  }
0xc0: {  	v2 =	vld [tilespmem:$0x140];
	_ =	sdelay $0x4  }
0xc1: {  	v2 =	vand.u32 $0x7F, v2  }
0xc2: {  	v2 =	vor.u32 v40, v2;
	_ =	sdelay $0x4  }
0xc3: {  	v2 =	vld.idx.msk [tilespmem:v2+s10+$0x0], $0xffff;
	_ =	sdelay $0x4  }
0xc4: {  	[tilespmem:v41+s19+$0x0] =	vst.idx.msk $0xffff, v2  }
0xc5: {  	v2 =	vld [tilespmem:$0x150];
	_ =	sdelay $0x4  }
0xc6: {  	v2 =	vand.u32 $0x7F, v2  }
0xc7: {  	v2 =	vor.u32 v42, v2;
	_ =	sdelay $0x4  }
0xc8: {  	v2 =	vld.idx.msk [tilespmem:v2+s10+$0x0], $0xffff;
	_ =	sdelay $0x4  }
0xc9: {  	[tilespmem:v43+s19+$0x0] =	vst.idx.msk $0xffff, v2  }
0xca: {  	v2 =	vld [tilespmem:$0x160];
	_ =	sdelay $0x4  }
0xcb: {  	v2 =	vand.u32 $0x7F, v2  }
0xcc: {  	v2 =	vor.u32 v44, v2;
	_ =	sdelay $0x4  }
0xcd: {  	v2 =	vld.idx.msk [tilespmem:v2+s10+$0x0], $0xffff;
	_ =	sdelay $0x4  }
0xce: {  	[tilespmem:v45+s19+$0x0] =	vst.idx.msk $0xffff, v2  }
0xcf: {  	v2 =	vld [tilespmem:$0x170];
	_ =	sdelay $0x4  }
0xd0: {  	v2 =	vand.u32 $0x7F, v2  }
0xd1: {  	v2 =	vor.u32 v46, v2;
	_ =	sdelay $0x4  }
0xd2: {  	v2 =	vld.idx.msk [tilespmem:v2+s10+$0x0], $0xffff;
	_ =	sdelay $0x4  }
0xd3: {  	[tilespmem:v47+s19+$0x0] =	vst.idx.msk $0xffff, v2  }
0xd4: {  	v2 =	vld [tilespmem:$0x180];
	_ =	sdelay $0x4  }
0xd5: {  	v2 =	vand.u32 $0x7F, v2  }
0xd6: {  	v2 =	vor.u32 v48, v2;
	_ =	sdelay $0x4  }
0xd7: {  	v2 =	vld.idx.msk [tilespmem:v2+s10+$0x0], $0xffff;
	_ =	sdelay $0x4  }
0xd8: {  	[tilespmem:v49+s19+$0x0] =	vst.idx.msk $0xffff, v2  }
0xd9: {  	v2 =	vld [tilespmem:$0x190];
	_ =	sdelay $0x4  }
0xda: {  	v2 =	vand.u32 $0x7F, v2  }
0xdb: {  	v2 =	vor.u32 v50, v2;
	_ =	sdelay $0x4  }
0xdc: {  	v2 =	vld.idx.msk [tilespmem:v2+s10+$0x0], $0xffff;
	_ =	sdelay $0x4  }
0xdd: {  	[tilespmem:v51+s19+$0x0] =	vst.idx.msk $0xffff, v2  }
0xde: {  	v2 =	vld [tilespmem:$0x1A0];
	_ =	sdelay $0x4  }
0xdf: {  	v2 =	vand.u32 $0x7F, v2  }
0xe0: {  	v2 =	vor.u32 v52, v2;
	_ =	sdelay $0x4  }
0xe1: {  	v2 =	vld.idx.msk [tilespmem:v2+s10+$0x0], $0xffff;
	_ =	sdelay $0x4  }
0xe2: {  	[tilespmem:v53+s19+$0x0] =	vst.idx.msk $0xffff, v2  }
0xe3: {  	v2 =	vld [tilespmem:$0x1B0];
	_ =	sdelay $0x4  }
0xe4: {  	v2 =	vand.u32 $0x7F, v2  }
0xe5: {  	v2 =	vor.u32 v54, v2;
	_ =	sdelay $0x4  }
0xe6: {  	v2 =	vld.idx.msk [tilespmem:v2+s10+$0x0], $0xffff;
	_ =	sdelay $0x4  }
0xe7: {  	[tilespmem:v55+s19+$0x0] =	vst.idx.msk $0xffff, v2  }
0xe8: {  	v2 =	vld [tilespmem:$0x1C0];
	_ =	sdelay $0x4  }
0xe9: {  	v2 =	vand.u32 $0x7F, v2  }
0xea: {  	v2 =	vor.u32 v56, v2;
	_ =	sdelay $0x4  }
0xeb: {  	v2 =	vld.idx.msk [tilespmem:v2+s10+$0x0], $0xffff;
	_ =	sdelay $0x4  }
0xec: {  	[tilespmem:v57+s19+$0x0] =	vst.idx.msk $0xffff, v2  }
0xed: {  	v2 =	vld [tilespmem:$0x1D0];
	_ =	sdelay $0x4  }
0xee: {  	v2 =	vand.u32 $0x7F, v2  }
0xef: {  	v2 =	vor.u32 v58, v2;
	_ =	sdelay $0x4  }
0xf0: {  	v2 =	vld.idx.msk [tilespmem:v2+s10+$0x0], $0xffff;
	_ =	sdelay $0x4  }
0xf1: {  	[tilespmem:v59+s19+$0x0] =	vst.idx.msk $0xffff, v2  }
0xf2: {  	v2 =	vld [tilespmem:$0x1E0];
	_ =	sdelay $0x4  }
0xf3: {  	v2 =	vand.u32 $0x7F, v2  }
0xf4: {  	v2 =	vor.u32 v60, v2;
	_ =	sdelay $0x4  }
0xf5: {  	v2 =	vld.idx.msk [tilespmem:v2+s10+$0x0], $0xffff;
	_ =	sdelay $0x4  }
0xf6: {  	[tilespmem:v61+s19+$0x0] =	vst.idx.msk $0xffff, v2  }
0xf7: {  	v2 =	vld [tilespmem:$0x1F0];
	_ =	sdelay $0x4  }
0xf8: {  	v2 =	vand.u32 $0x7F, v2  }
0xf9: {  	v2 =	vor.u32 v62, v2;
	_ =	sdelay $0x4  }
0xfa: {  	v3 =	vor.u32 $0xF80, v1;
	v2 =	vld.idx.msk [tilespmem:v2+s10+$0x0], $0xffff;
	_ =	sdelay $0x4  }
0xfb: {  	s20 =	simm.s32 $0x10;
	s22 =	sadd.s32 $0x0, s5;
	s21 =	simm.s32 $0x10408;
	[tilespmem:v3+s19+$0x0] =	vst.idx.msk $0xffff, v2  }
.LBB2_2:
0xfc: {  	[hbm4b:s22+s1] =	stream.linear.scatter [tilespmem:s19], [sflag:$0x2], $0x4, $0x38;
	[tilespmem:$0x11400] =	vst v63  }
0xfd: {  	s22 =	smov.u32 s20;
	s19 =	smov.u32 s21;
	p0 =	sne.s32 s20, $0x1FF0  }
.Ltmp0:
0xfe: {  	s20 =	sadd.s32 $0x10, s20;
	(pc) =	sbr.rel @p0 .LBB2_2-.Ltmp0, $2  }
0xff: {  	_ =	sdelay $0x2  }
0x100: {  	s21 =	sadd.s32 $0x8, s21;
	s22 =	sadd.s32 s22, s5  }
0x101: {  	s18 =	sadd.s32 $0x1, s18  }
0x102: {  	p0 =	sne.s32 s18, s6  }
.Ltmp1:
0x103: {  	_ = 	snop;
	(pc) =	sbr.rel @p0 .LBB2_1-.Ltmp1, $4  }
0x104: {  	[hbm4b:s22+s1] =	stream.linear.scatter [tilespmem:s19], [sflag:$0x2], $0x4, $0x38;
	[tilespmem:$0x11400] =	vst v63  }
0x105: {  	_ =	swait.ge [sflag:s7], $0x800  }
0x106: {  	[sflag:s7] =	ssyncset.done $0x0  }
0x107: {  	[sflag:s7] =	ssyncadd.s32 $0xFFFFF800  }
0x108: {  	_ =	sfence.sel $0x180000  }
0x109: {  	[bflag:$0x0] =	sbarrier.arrive $0xFFFF  }
0x10a: {  	p0 =	sne.s32 s2, $0x0;
	_ =	strace $0x9000004A  }
0x10b: {  	s0 =	sadd.s32 @!p0 $0x100000, s0;
	[bflag:$0x2] =	sbarrier.arrive $0xFFFF  }
0x10c: {  	[sflag:s0] =	ssyncadd.tile.s32 @!p0 $0x1;
	_ =	shalt  }
.Lfunc_end2:
_tile_overlayer_lowered:
.L_overlay_start_2:
0x10d: {  	(tag) =	ssettag $0x2  }
0x10e: {  	s0 =	rddreg [dreg:$0x0];
	s2 =	stileid.u32  }
0x10f: {  	s1 =	rddreg [dreg:$0x1];
	p0 =	sne.s32 s2, $0x0  }
0x110: {  	s3 =	rddreg [dreg:$0x2];
	[bflag:$0x3] =	sbarrier.arrive $0xFFFF;
	s2 =	simm.s32 @!p0 $0x1C02  }
0x111: {  	[timem:s3], [sflag:s2] =	dma.local @!p0 [hbm:s0], s1  }
0x112: {  	s0 =	simm.s32 @!p0 $0x2  }
0x113: {  	_ =	swait.ge @!p0 [sflag:s0], s1  }
0x114: {  	s1 =	ssub.s32 @!p0 $0x0, s1;
	[sflag:s0] =	ssyncset.done @!p0 $0x0  }
0x115: {  	[sflag:s0] =	ssyncadd.s32 @!p0 s1  }
0x116: {  	[bflag:$0x3] =	sbarrier.arrive $0xFFFF  }
0x117: {  	_ =	shalt  }

// kernel: kernel.8.cloned.1.call-start
scs
__scs_entry_jumppad:
0x0: {  	(pc) =	sbr.rel $0x88, $3  }
0x1: {  	(tag) =	ssettag $0x0;
	lr =	simm.s32 $0x1  }
0x2: {  	[smem:$0x3F92] =	sst lr;
	_ =	strace $0xD0000000  }
0x3: {  	_ = 	snop  }
0x4: {  	_ = 	snop  }
0x5: {  	_ = 	snop  }
0x6: {  	_ = 	snop  }
0x7: {  	_ = 	snop  }
__scs_overlays_trampoline_lowered:
0x8: {  	[smem:$0x3FA1] =	sst s0  }
0x9: {  	[smem:$0x3FA2] =	sst s1  }
0xa: {  	[smem:$0x3FA3] =	sst s2  }
0xb: {  	[smem:$0x3FA4] =	sst s3  }
0xc: {  	[smem:$0x3FA5] =	sst s4  }
0xd: {  	[smem:$0x3FA6] =	sst s5  }
0xe: {  	[smem:$0x3FA7] =	sst s6  }
0xf: {  	[smem:$0x3FA8] =	sst s7  }
0x10: {  	[smem:$0x3FA9] =	sst s8  }
0x11: {  	[smem:$0x3FAA] =	sst s9;
	s0 =	simm.s32 @!p0 $0x0  }
0x12: {  	s1 =	sld [smem:$0x3F90];
	s0 =	simm.s32 @p0 $0x1  }
0x13: {  	[smem:$0x3FAB] =	sst s0;
	s0 =	simm.s32 @!p1 $0x0  }
0x14: {  	s2 =	sld [smem:$0x3F8F];
	s0 =	simm.s32 @p1 $0x1  }
0x15: {  	[smem:$0x3FAC] =	sst s0;
	s0 =	simm.s32 @!p2 $0x0  }
0x16: {  	s3 =	sld [smem:$0x3FDB];
	s0 =	simm.s32 @p2 $0x1  }
0x17: {  	s4 =	simm.s32 $0x1BF5;
	[smem:$0x3FAE] =	sst s0  }
0x18: {  	s0 =	sld [smem:$0x3F91];
	_ =	swait.ge [sflag:s4], $0x0  }
0x19: {  	s7 =	sld [smem:$0x3F92]  }
0x1a: {  	s8 =	sadd.s32 $0xFFFFE003, lr  }
0x1b: {  	s9 =	sadd.s32 $0xFFFFFEF7, lr;
	s5 =	simm.s32 $0xFFFFFFFF;
	p2 =	slt.u32 s8, $0xFFFFF086  }
0x1c: {  	p1 =	slt.u32 s9, $0xF7A;
	s5 =	simm.s32 @!p2 $0x0  }
0x1d: {  	s5 =	simm.s32 @p1 $0x1;
	p0 =	seq.s32 s7, s2  }
0x1e: {  	s7 =	smul.u32 @!p0 $0xF7A, s2;
	p2 =	seq.s32 @!p0 s5, $0x0  }
0x1f: {  	s9 =	smul.u32 $0xF7A, s1;
	s8 =	simm.s32 @!p0 $0x1BF5;
	p2 =	por !p2, p0  }
0x20: {  	[sflag:s8] =	ssyncset.s32 @!p0 $0xFFFFF086;
	s6 =	sadd.s32 @!p0 s3, s7;
	s7 =	simm.s32 @!p0 $0x108  }
0x21: {  	s3 =	sadd.s32 s3, s9;
	s6 =	sadd.s32 @!p0 $0x88, s6;
	s7 =	simm.s32 @p2 $0x1082  }
0x22: {  	[simem:s7], [sflag:s8] =	dma.local @!p0 [hbm:s6], $0xF7A  }
0x23: {  	s9 =	sor.u32 $0xD0000000, s2;
	s6 =	simm.s32 $0x108;
	_ =	swait.ge @!p0 [sflag:s8], $0x0  }
0x24: {  	s3 =	sadd.s32 $0x88, s3;
	s6 =	simm.s32 @!p1 $0x1082;
	[sflag:s4] =	ssyncset.s32 $0xFFFFF086  }
0x25: {  	[simem:s6], [sflag:s4] =	dma.local [hbm:s3], $0xF7A  }
0x26: {  	[smem:$0x3F92] =	sst s1;
	(tag) =	ssettag s2;
	_ =	strace s9  }
0x27: {  	s1 =	sld [smem:$0x3FA2]  }
0x28: {  	s2 =	sld [smem:$0x3FA3]  }
0x29: {  	s4 =	sld [smem:$0x3FA5]  }
0x2a: {  	p0 =	seq.s32 s5, $0x0;
	s5 =	sld [smem:$0x3FA6]  }
0x2b: {  	s6 =	sld [smem:$0x3FA7]  }
0x2c: {  	s7 =	sld [smem:$0x3FA8]  }
0x2d: {  	s3 =	simm.s32 $0x108;
	s8 =	sld [smem:$0x3FA9]  }
0x2e: {  	s3 =	simm.s32 @!p0 $0x1082;
	s9 =	sld [smem:$0x3FAA]  }
0x2f: {  	lr =	sadd.s32 s0, s3;
	s0 =	sld [smem:$0x3FA1]  }
0x30: {  	s3 =	sld [smem:$0x3FA4]  }
0x31: {  	[smem:$0x3FAD] =	sst s10  }
0x32: {  	s10 =	sld [smem:$0x3FAB];
	_ =	sdelay $0x3  }
0x33: {  	p0 =	seq.s32 s10, $0x1;
	s10 =	sld [smem:$0x3FAD];
	_ =	sdelay $0x3  }
0x34: {  	[smem:$0x3FAD] =	sst s10  }
0x35: {  	s10 =	sld [smem:$0x3FAC];
	_ =	sdelay $0x3  }
0x36: {  	p1 =	seq.s32 s10, $0x1;
	s10 =	sld [smem:$0x3FAD];
	_ =	sdelay $0x3  }
0x37: {  	[smem:$0x3FAD] =	sst s10  }
0x38: {  	s10 =	sld [smem:$0x3FAE]  }
0x39: {  	_ = 	snop;
	(pc) =	sbr.ind lr, $3  }
0x3a: {  	_ = 	snop  }
0x3b: {  	_ = 	snop  }
0x3c: {  	p2 =	seq.s32 s10, $0x1;
	s10 =	sld [smem:$0x3FAD]  }
0x3d: {  	_ =	shalt  }
0x3e: {  	_ =	shalt  }
0x3f: {  	_ =	shalt  }
0x40: {  	_ =	shalt  }
0x41: {  	_ =	shalt  }
0x42: {  	_ =	shalt  }
0x43: {  	_ =	shalt  }
0x44: {  	_ =	shalt  }
0x45: {  	_ =	shalt  }
0x46: {  	_ =	shalt  }
0x47: {  	_ =	shalt  }
0x48: {  	_ =	shalt  }
0x49: {  	_ =	shalt  }
0x4a: {  	_ =	shalt  }
0x4b: {  	_ =	shalt  }
0x4c: {  	_ =	shalt  }
0x4d: {  	_ =	shalt  }
0x4e: {  	_ =	shalt  }
0x4f: {  	_ =	shalt  }
0x50: {  	_ =	shalt  }
0x51: {  	_ =	shalt  }
0x52: {  	_ =	shalt  }
0x53: {  	_ =	shalt  }
0x54: {  	_ =	shalt  }
0x55: {  	_ =	shalt  }
0x56: {  	_ =	shalt  }
0x57: {  	_ =	shalt  }
0x58: {  	_ =	shalt  }
0x59: {  	_ =	shalt  }
0x5a: {  	_ =	shalt  }
0x5b: {  	_ =	shalt  }
0x5c: {  	_ =	shalt  }
0x5d: {  	_ =	shalt  }
0x5e: {  	_ =	shalt  }
0x5f: {  	_ =	shalt  }
0x60: {  	_ =	shalt  }
0x61: {  	_ =	shalt  }
0x62: {  	_ =	shalt  }
0x63: {  	_ =	shalt  }
0x64: {  	_ =	shalt  }
0x65: {  	_ =	shalt  }
0x66: {  	_ =	shalt  }
0x67: {  	_ =	shalt  }
0x68: {  	_ =	shalt  }
0x69: {  	_ =	shalt  }
0x6a: {  	_ =	shalt  }
0x6b: {  	_ =	shalt  }
0x6c: {  	_ =	shalt  }
0x6d: {  	_ =	shalt  }
0x6e: {  	_ =	shalt  }
0x6f: {  	_ =	shalt  }
0x70: {  	_ =	shalt  }
0x71: {  	_ =	shalt  }
0x72: {  	_ =	shalt  }
0x73: {  	_ =	shalt  }
0x74: {  	_ =	shalt  }
0x75: {  	_ =	shalt  }
0x76: {  	_ =	shalt  }
0x77: {  	_ =	shalt  }
0x78: {  	_ =	shalt  }
0x79: {  	_ =	shalt  }
0x7a: {  	_ =	shalt  }
0x7b: {  	_ =	shalt  }
0x7c: {  	_ =	shalt  }
0x7d: {  	_ =	shalt  }
0x7e: {  	_ =	shalt  }
0x7f: {  	_ =	shalt  }
0x80: {  	_ =	shalt  }
0x81: {  	_ =	shalt  }
0x82: {  	_ =	shalt  }
0x83: {  	_ =	shalt  }
0x84: {  	_ =	shalt  }
0x85: {  	_ =	shalt  }
0x86: {  	_ =	shalt  }
0x87: {  	_ =	shalt  }
.Lfunc_end0:
.L_simem_size_0:
called_computation.1_lowered:
.L_overlay_start_0:
0x88: {  	s2 =	sld [smem:$0x3FD9]  }
0x89: {  	s3 =	sld [smem:$0x3FFE];
	_ =	sdelay $0x1  }
0x8a: {  	s1 =	srdreg.scid  }
0x8b: {  	s0 =	sand.u32 $0x1, s1  }
0x8c: {  	s17 =	sshll.u32 s0, $0xA;
	s2 =	sadd.s32 s3, s2  }
0x8d: {  	s2 =	sadd.s32 s2, s17  }
0x8e: {  	[smem:$0x3FB9] =	sst s2  }
0x8f: {  	_ = 	snop  }
0x90: {  	s2 =	sld [smem:$0x3FC9];
	(tm) =	ssettm $0x1  }
0x91: {  	s18 =	sld [smem:$0x3FFB];
	_ =	sdelay $0x3  }
0x92: {  	_ =	strace s18  }
0x93: {  	s3 =	sld [smem:$0x3FFC];
	_ =	sdelay $0x3  }
0x94: {  	_ =	strace s3  }
0x95: {  	s3 =	sld [smem:$0x3FFD];
	_ =	sdelay $0x3  }
0x96: {  	_ =	strace s3  }
0x97: {  	_ =	strace $0x8FFFFFFF  }
0x98: {  	s19 =	sld [smem:$0x3FDB];
	_ =	sdelay $0x1  }
0x99: {  	s4 =	simm.s32 $_scs_section_size  }
0x9a: {  	s5 =	simm.s32 $_size__tile_overlayer_lowered;
	s6 =	simm.s32 $_tile_overlayer_lowered  }
0x9b: {  	s22 =	simm.s32 $0x1BFF;
	s21 =	sshll.u32 s6, $0x1;
	s3 =	sadd.s32 s4, s19  }
0x9c: {  	s7 =	simm.s32 $0x0;
	s20 =	sshll.u32 s5, $0x1;
	s5 =	sadd.s32 s21, s3  }
0x9d: {  	[timem:s7], [sflag:s22] =	dma.local [hbm:s5], s20  }
0x9e: {  	_ =	swait.ge [sflag:s22], s20  }
0x9f: {  	s4 =	ssub.s32 $0x0, s20;
	[sflag:s22] =	ssyncset.done $0x0  }
0xa0: {  	[sflag:s22] =	ssyncadd.s32 s4;
	_ =	sdelay $0x1  }
0xa1: {  	s23 =	simm.s32 $0x1B8B  }
0xa2: {  	_ =	swait.ge [sflag:s23], $0x1  }
0xa3: {  	[sflag:s23] =	ssyncset.done $0x0  }
0xa4: {  	s25 =	simm.s32 $0x1B8E;
	s24 =	sld [smem:$0x3FFE];
	[sflag:s23] =	ssyncadd.s32 $0xFFFFFFFF  }
0xa5: {  	s26 =	simm.s32 $execute0_lowered;
	[smem:$0x3FD2] =	sst s25  }
0xa6: {  	s5 =	sshll.u32 s26, $0x1;
	_ =	strace $0x80000046;
	[dreg:$0x1] =	wrdreg $0xFFFFFFFF  }
0xa7: {  	s28 =	simm.s32 $_size_execute0_lowered;
	s3 =	sadd.s32 s3, s5;
	[dreg:$0x0] =	wrdreg $0x0  }
0xa8: {  	s5 =	sshll.u32 s28, $0x1;
	[dreg:$0x2] =	wrdreg s3  }
0xa9: {  	[dreg:$0x3] =	wrdreg s5  }
0xaa: {  	[dreg:$0x4] =	wrdreg $0xC0  }
0xab: {  	_ =	task [dreg:s7], $0x5FFFF  }
0xac: {  	[dreg:$0x1] =	wrdreg $0xFFFFFFFF  }
0xad: {  	[dreg:$0x0] =	wrdreg $0x60  }
0xae: {  	[dreg:$0x2] =	wrdreg s2  }
0xaf: {  	[dreg:$0x3] =	wrdreg s24  }
0xb0: {  	[dreg:$0x4] =	wrdreg $0xA  }
0xb1: {  	_ =	task.clear_ibuf [dreg:s7], $0x5FFFF;
	_ =	strace $0x90000046  }
0xb2: {  	s29 =	simm.s32 $0xA;
	_ =	strace $0x80000048  }
0xb3: {  	_ =	swait.ge [sflag:s29], $0x1  }
0xb4: {  	[sflag:s29] =	ssyncadd.s32 $0xFFFFFFFF  }
0xb5: {  	_ =	strace $0x90000048  }
0xb6: {  	_ =	sfence  }
0xb7: {  	s30 =	sld [smem:$0x0];
	_ =	sdelay $0x2  }
0xb8: {  	s31 =	sshll.u32 s1, $0xD;
	s1 =	sshrl.u32 s1, $0x2  }
0xb9: {  	s3 =	sand.u32 $0x4000, s31;
	s1 =	sadd.s32 s1, s30  }
0xba: {  	s0 =	sor.u32 s3, s0;
	s1 =	sshll.u32 s1, $0x11  }
0xbb: {  	s0 =	sor.u32 s1, s0  }
0xbc: {  	s0 =	sadd.s32 $0x8F2B, s0  }
0xbd: {  	[sflag:s0] =	ssyncadd.remote.s32 $0x1  }
0xbe: {  	_ =	sfence.sel $0xFFFF  }
0xbf: {  	[dreg:$0x0] =	wrdreg $0xFFFFFFFF;
	(pc) =	sbr.abs _section_cstart, $3  }
0xc0: {  	[dreg:$0x1] =	wrdreg $0xFFFFFFFF  }
0xc1: {  	_ =	task.clear_ibuf [dreg:s7], $0x2FFFF;
	_ =	strace $0x9FFFFFFF  }
0xc2: {  	(tm) =	ssettm $0x7FFFFFFF  }
0xc3: {  	_ =	shalt  }
tec
execute0_lowered:
.L_overlay_start_1:
0x0: {  	(tag) =	ssettag $0x1  }
0x1: {  	s3 =	rddreg [dreg:$0x0]  }
0x2: {  	s1 =	srdreg.scid;
	s0 =	stileid.u32  }
0x3: {  	s14 =	rddreg [dreg:$0x1];
	s15 =	sand.u32 $0x1, s1;
	s4 =	sshll.u32 s0, $0x1  }
0x4: {  	s2 =	simm.s32 $0x0;
	s1 =	rddreg [dreg:$0x2];
	s16 =	sor.u32 s15, s4  }
0x5: {  	[smem:$0x7FF] =	sst s2;
	s4 =	sshll.u32 s16, $0x6  }
0x6: {  	_ =	strace $0x80000047;
	s4 =	sadd.s32 s3, s4;
	s3 =	simm.s32 $0x2  }
0x7: {  	[tilespmem:s2], [sflag:$0x2] =	stream.linear.gather [hbm4b:s4+s2], $0x200, $0x38;
	[tilespmem:$0x8200] =	vst v63  }
0x8: {  	_ =	swait.ge [sflag:s3], $0x200  }
0x9: {  	s6 =	simm.s32 $0x80;
	[sflag:s3] =	ssyncset.done $0x0  }
0xa: {  	s7 =	simm.s32 $0x200;
	s5 =	sadd.s32 $0x189000, s14;
	[sflag:s3] =	ssyncadd.s32 $0xFFFFFE00  }
0xb: {  	[tilespmem:s7], [sflag:$0x1] =	stream.indirect.gather [hbm4b:s5+s6], $0x40, s2, s6, $0xb8;
	[tilespmem:$0x8200] =	vst v63  }
0xc: {  	s8 =	simm.s32 $0x2200  }
0xd: {  	[tilespmem:s8], [sflag:$0x1] =	stream.indirect.gather [hbm4b:s5+s6], $0x40, s6, s6, $0xb8;
	[tilespmem:$0x8200] =	vst v63  }
0xe: {  	s9 =	simm.s32 $0x100;
	s10 =	simm.s32 $0x4200  }
0xf: {  	[tilespmem:s10], [sflag:$0x1] =	stream.indirect.gather [hbm4b:s5+s6], $0x40, s9, s6, $0xb8;
	[tilespmem:$0x8200] =	vst v63  }
0x10: {  	s11 =	simm.s32 $0x180;
	s12 =	simm.s32 $0x6200;
	s13 =	simm.s32 $0x1  }
0x11: {  	[tilespmem:s12], [sflag:$0x1] =	stream.indirect.gather [hbm4b:s5+s6], $0x40, s11, s6, $0xb8;
	[tilespmem:$0x8200] =	vst v63  }
0x12: {  	_ =	swait.ge [sflag:s13], $0x2000  }
0x13: {  	[sflag:s13] =	ssyncset.done $0x0  }
0x14: {  	[sflag:s13] =	ssyncadd.s32 $0xFFFFE000  }
0x15: {  	_ =	swait.ge [sflag:s13], $0x2000  }
0x16: {  	[sflag:s13] =	ssyncset.done $0x0  }
0x17: {  	s15 =	ssub.s32 $0x2, s15;
	[sflag:s13] =	ssyncadd.s32 $0xFFFFE000  }
0x18: {  	s31 =	sshrl.u32 s15, $0x1;
	_ =	swait.ge [sflag:s13], $0x2000  }
0x19: {  	s16 =	sshll.u32 s16, $0xD;
	s15 =	ssub.s32 s15, s31;
	[sflag:s13] =	ssyncset.done $0x0  }
0x1a: {  	s14 =	sadd.s32 s16, s14;
	s16 =	smax.u32 s15, $0x1;
	[sflag:s13] =	ssyncadd.s32 $0xFFFFE000  }
0x1b: {  	p0 =	sne.s32 s16, $0x1;
	_ =	swait.ge [sflag:s13], $0x2000  }
.Ltmp0:
0x1c: {  	[sflag:s13] =	ssyncset.done $0x0;
	(pc) =	sbr.rel @!p0 .LBB2_2-.Ltmp0, $4  }
0x1d: {  	s14 =	sadd.s32 $0x2600, s14;
	s15 =	simm.s32 $0x40;
	[sflag:s13] =	ssyncadd.s32 $0xFFFFE000  }
0x1e: {  	[hbm4b:s14+s15] =	stream.strided.scatter [tilespmem:s7], [sflag:$0x2], $0x8000, s6, s15, $0x38;
	[tilespmem:$0x8200] =	vst v63  }
0x1f: {  	_ =	swait.ge [sflag:s3], $0x8000  }
0x20: {  	s16 =	sadd.s32 $0xFFFFFFFF, s16;
	[sflag:s3] =	ssyncset.done $0x0  }
.LBB2_1:
0x21: {  	p0 =	sne.s32 s16, $0x1;
	s16 =	sadd.s32 $0xFFFFFFFF, s16;
	[sflag:s3] =	ssyncadd.s32 $0xFFFF8000  }
0x22: {  	[tilespmem:s2], [sflag:$0x2] =	stream.linear.gather [hbm4b:s4+s2], $0x200, $0x38;
	[tilespmem:$0x8200] =	vst v63  }
0x23: {  	_ =	swait.ge [sflag:s3], $0x200  }
0x24: {  	[sflag:s3] =	ssyncset.done $0x0  }
0x25: {  	[sflag:s3] =	ssyncadd.s32 $0xFFFFFE00  }
0x26: {  	[tilespmem:s7], [sflag:$0x1] =	stream.indirect.gather [hbm4b:s5+s6], $0x40, s2, s6, $0xb8;
	[tilespmem:$0x8200] =	vst v63  }
0x27: {  	_ = 	snop  }
0x28: {  	[tilespmem:s8], [sflag:$0x1] =	stream.indirect.gather [hbm4b:s5+s6], $0x40, s6, s6, $0xb8;
	[tilespmem:$0x8200] =	vst v63  }
0x29: {  	_ = 	snop  }
0x2a: {  	[tilespmem:s10], [sflag:$0x1] =	stream.indirect.gather [hbm4b:s5+s6], $0x40, s9, s6, $0xb8;
	[tilespmem:$0x8200] =	vst v63  }
0x2b: {  	_ = 	snop  }
0x2c: {  	[tilespmem:s12], [sflag:$0x1] =	stream.indirect.gather [hbm4b:s5+s6], $0x40, s11, s6, $0xb8;
	[tilespmem:$0x8200] =	vst v63  }
0x2d: {  	_ =	swait.ge [sflag:s13], $0x2000  }
0x2e: {  	[sflag:s13] =	ssyncset.done $0x0  }
0x2f: {  	[sflag:s13] =	ssyncadd.s32 $0xFFFFE000  }
0x30: {  	_ =	swait.ge [sflag:s13], $0x2000  }
0x31: {  	[sflag:s13] =	ssyncset.done $0x0  }
0x32: {  	[sflag:s13] =	ssyncadd.s32 $0xFFFFE000  }
0x33: {  	_ =	swait.ge [sflag:s13], $0x2000  }
0x34: {  	[sflag:s13] =	ssyncset.done $0x0  }
0x35: {  	[sflag:s13] =	ssyncadd.s32 $0xFFFFE000  }
0x36: {  	_ =	swait.ge [sflag:s13], $0x2000  }
.Ltmp1:
0x37: {  	[sflag:s13] =	ssyncset.done $0x0;
	(pc) =	sbr.rel @p0 .LBB2_1-.Ltmp1, $4  }
0x38: {  	[sflag:s13] =	ssyncadd.s32 $0xFFFFE000  }
0x39: {  	[hbm4b:s14+s15] =	stream.strided.scatter [tilespmem:s7], [sflag:$0x2], $0x8000, s6, s15, $0x38;
	[tilespmem:$0x8200] =	vst v63  }
0x3a: {  	_ =	swait.ge [sflag:s3], $0x8000  }
0x3b: {  	[sflag:s3] =	ssyncset.done $0x0  }
.LBB2_2:
0x3c: {  	[sflag:s3] =	ssyncadd.s32 $0xFFFF8000  }
0x3d: {  	_ =	sfence.sel $0x180000  }
0x3e: {  	[bflag:$0x0] =	sbarrier.arrive $0xFFFF  }
0x3f: {  	p0 =	sne.s32 s0, $0x0;
	_ =	strace $0x90000047  }
0x40: {  	s0 =	sadd.s32 @!p0 $0x100000, s1;
	[bflag:$0x2] =	sbarrier.arrive $0xFFFF  }
0x41: {  	[sflag:s0] =	ssyncadd.tile.s32 @!p0 $0x1;
	_ =	shalt  }
.Lfunc_end2:
_tile_overlayer_lowered:
.L_overlay_start_2:
0x42: {  	(tag) =	ssettag $0x2  }
0x43: {  	s0 =	rddreg [dreg:$0x0];
	s2 =	stileid.u32  }
0x44: {  	s1 =	rddreg [dreg:$0x1];
	p0 =	sne.s32 s2, $0x0  }
0x45: {  	s3 =	rddreg [dreg:$0x2];
	[bflag:$0x3] =	sbarrier.arrive $0xFFFF;
	s2 =	simm.s32 @!p0 $0x1C02  }
0x46: {  	[timem:s3], [sflag:s2] =	dma.local @!p0 [hbm:s0], s1  }
0x47: {  	s0 =	simm.s32 @!p0 $0x2  }
0x48: {  	_ =	swait.ge @!p0 [sflag:s0], s1  }
0x49: {  	s1 =	ssub.s32 @!p0 $0x0, s1;
	[sflag:s0] =	ssyncset.done @!p0 $0x0  }
0x4a: {  	[sflag:s0] =	ssyncadd.s32 @!p0 s1  }
0x4b: {  	[bflag:$0x3] =	sbarrier.arrive $0xFFFF  }
0x4c: {  	_ =	shalt  }

</sc_bundles>
